<compile_context>
chip_gen: v7x
topology: tpu7x:2x2x1
jax: 0.10.2.dev20260603
libtpu: 0.0.44.dev20260713+nightly
codegen_flags: <defaults>
</compile_context>

<pallas_src>
import functools
import jax
import jax.numpy as jnp
from jax import lax
from jax.experimental import pallas as pl
from jax.experimental.pallas import tpu as pltpu
try:
    from jax.experimental.pallas import tpu_sc as plsc
except ImportError:
    plsc = None

_B, _DIM, _L = 8, 512, 512
_NQ, _G, _CS = 4, 2, 1024
_DPG = _DIM // _G
_F32 = jnp.float32
_BF16 = jnp.bfloat16


def _body(x_r, w3_r, pw_r, po_r, cb_r, cbm2_r, hiT_r, midT_r, loT_r,
          cvb_r, prb_r, pob_r, q_r, idx_r, loss_r):
    xb = x_r[0]
    m0 = jnp.dot(w3_r[0], xb, preferred_element_type=_F32)
    m1 = jnp.dot(w3_r[1], xb, preferred_element_type=_F32)
    m2 = jnp.dot(w3_r[2], xb, preferred_element_type=_F32)
    zcol = jnp.zeros((_DIM, 1), _F32)
    y = (m1
         + jnp.concatenate([zcol, m0[:, :-1]], axis=1)
         + jnp.concatenate([m2[:, 1:], zcol], axis=1)
         + cvb_r[...])
    z = jnp.dot(pw_r[...], y.astype(_BF16), preferred_element_type=_F32) + prb_r[...]

    iota = lax.broadcasted_iota(jnp.int32, (_CS, _L), 0)
    qcat_parts, loss_vals, idx_vals = [], [], []
    for g in range(_G):
        r0 = z[_DPG * g:_DPG * (g + 1), :]
        r = r0
        for qi in range(_NQ):
            cb_f = cb_r[g, qi]
            c2 = jnp.sum(cb_f * cb_f, axis=1, keepdims=True)
            t = jnp.dot(cbm2_r[g, qi], r.astype(_BF16),
                        preferred_element_type=_F32) + c2
            tmin = jnp.min(t, axis=0, keepdims=True)
            idxr = jnp.min(jnp.where(t <= tmin, iota, _CS), axis=0, keepdims=True)
            oh = (iota == idxr).astype(_BF16)
            qv = ((jnp.dot(hiT_r[g, qi], oh, preferred_element_type=_F32)
                   + jnp.dot(midT_r[g, qi], oh, preferred_element_type=_F32)
                   * _F32(2.0 ** -16))
                  + jnp.dot(loT_r[g, qi], oh, preferred_element_type=_F32)
                  * _F32(2.0 ** -32))
            r = r - qv
            loss_vals.append(jnp.sum(r * r))
            idx_vals.append(idxr)
        qcat_parts.append(r0 - r)
    qcat = jnp.concatenate(qcat_parts, axis=0)
    q_r[0] = jnp.dot(po_r[...], qcat.astype(_BF16),
                     preferred_element_type=_F32) + pob_r[...]
    idx_r[0] = jnp.concatenate(idx_vals, axis=0)
    loss_r[0] = jnp.concatenate(
        [jnp.broadcast_to(v, (1, 128)) for v in loss_vals], axis=0)


def kernel(x, conv_w, conv_b, pre_w, pre_b, codebooks, post_w, post_b):
    xb = x.astype(_BF16)
    w3 = jnp.transpose(conv_w, (2, 0, 1)).astype(_BF16)
    pw = pre_w.astype(_BF16)
    po = post_w.astype(_BF16)
    cbm2 = (codebooks.astype(_BF16)) * _BF16(-2.0)
    cbT = jnp.transpose(codebooks, (0, 1, 3, 2))
    hiT = cbT.astype(_BF16)
    remT = cbT - lax.optimization_barrier(hiT).astype(_F32)
    midT = (remT * _F32(2.0 ** 16)).astype(_BF16)
    remT2 = remT - lax.optimization_barrier(midT).astype(_F32) * _F32(2.0 ** -16)
    loT = (remT2 * _F32(2.0 ** 32)).astype(_BF16)
    cvb = conv_b.reshape(_DIM, 1)
    prb = pre_b.reshape(_DIM, 1)
    pob = post_b.reshape(_DIM, 1)

    const = lambda *blk: pl.BlockSpec(blk, lambda b: (0,) * len(blk))
    q, idx_out, loss_out = pl.pallas_call(
        _body,
        grid=(_B,),
        in_specs=[
            pl.BlockSpec((1, _DIM, _L), lambda b: (b, 0, 0)),
            const(3, _DIM, _DIM),
            const(_DIM, _DIM),
            const(_DIM, _DIM),
            const(_G, _NQ, _CS, _DPG),
            const(_G, _NQ, _CS, _DPG),
            const(_G, _NQ, _DPG, _CS),
            const(_G, _NQ, _DPG, _CS),
            const(_G, _NQ, _DPG, _CS),
            const(_DIM, 1),
            const(_DIM, 1),
            const(_DIM, 1),
        ],
        out_specs=[
            pl.BlockSpec((1, _DIM, _L), lambda b: (b, 0, 0)),
            pl.BlockSpec((1, _G * _NQ, _L), lambda b: (b, 0, 0)),
            pl.BlockSpec((1, _G * _NQ, 128), lambda b: (b, 0, 0)),
        ],
        out_shape=[
            jax.ShapeDtypeStruct((_B, _DIM, _L), _F32),
            jax.ShapeDtypeStruct((_B, _G * _NQ, _L), jnp.int32),
            jax.ShapeDtypeStruct((_B, _G * _NQ, 128), _F32),
        ],
    )(xb, w3, pw, po, codebooks, cbm2, hiT, midT, loT, cvb, prb, pob)

    indices = (jnp.transpose(idx_out, (1, 0, 2))
               .reshape(_G, _NQ, _B, _L)
               .transpose(0, 2, 3, 1))
    losses = (loss_out[:, :, 0].sum(axis=0)
              .reshape(_G, _NQ) / (_B * _L * _DPG))
    tbl = codebooks.reshape(_G * _NQ * _CS, _DPG)
    offs = (jnp.arange(_G * _NQ, dtype=jnp.int32) * _CS)[None, :, None]
    idx_flat = (idx_out + offs).transpose(0, 1, 2).reshape(-1)
    gathered = _sc_gather(tbl, idx_flat)
    return q, indices, losses, gathered


def _sc_gather(tbl, idx):
    n = idx.shape[0]
    mesh = plsc.VectorSubcoreMesh(core_axis_name="c", subcore_axis_name="s")
    NW, CH = 32, 256
    per_w = n // NW
    nch = per_w // CH

    @functools.partial(
        pl.kernel, mesh=mesh,
        out_type=jax.ShapeDtypeStruct((n, _DPG), _F32),
        scratch_types=[
            pltpu.VMEM((CH,), jnp.int32),
            pltpu.VMEM((CH, _DPG), _F32),
            pltpu.SemaphoreType.DMA,
        ],
    )
    def k(tbl_hbm, idx_hbm, out_hbm, idx_v, rows_v, sem):
        wid = lax.axis_index("s") * 2 + lax.axis_index("c")
        base = wid * per_w
        for c in range(nch):
            off = base + c * CH
            pltpu.sync_copy(idx_hbm.at[pl.ds(off, CH)], idx_v)
            pltpu.async_copy(tbl_hbm.at[idx_v], rows_v, sem).wait()
            pltpu.sync_copy(rows_v, out_hbm.at[pl.ds(off, CH)])

    return k(tbl, idx)

# --- scband reference (transcript-rebuilt; emitter-appended) ---
"""Pipeline reference for scband-grvq-2559800508671 (READ-ONLY COPY).

The authoritative reference and input builder live on the scoring server;
editing this copy changes nothing except your own understanding.
"""

import jax, jax.numpy as jnp
import numpy as np

B, DIM, L = 8, 512, 512
NQ, G, CS = 4, 2, 1024
DPG = DIM // G

def setup_inputs(seed: int = 0) -> dict:
    key = jax.random.key(seed)
    ks = jax.random.split(key, 8)
    x = jax.random.normal(ks[0], (B, DIM, L), dtype=jnp.float32)
    conv_w = jax.random.normal(ks[1], (DIM, DIM, 3), dtype=jnp.float32) * np.float32(1.0 / np.sqrt(DIM * 3))
    conv_b = jnp.zeros((DIM,), jnp.float32)
    pre_w = jax.random.normal(ks[2], (DIM, DIM), dtype=jnp.float32) * np.float32(1.0 / np.sqrt(DIM))
    pre_b = jnp.zeros((DIM,), jnp.float32)
    codebooks = jax.random.normal(ks[3], (G, NQ, CS, DPG), dtype=jnp.float32)
    post_w = jax.random.normal(ks[4], (DIM, DIM), dtype=jnp.float32) * np.float32(1.0 / np.sqrt(DIM))
    post_b = jnp.zeros((DIM,), jnp.float32)
    return {"x": x, "conv_w": conv_w, "conv_b": conv_b, "pre_w": pre_w, "pre_b": pre_b,
            "codebooks": codebooks, "post_w": post_w, "post_b": post_b}

def _grvq(x, conv_w, conv_b, pre_w, pre_b, codebooks, post_w, post_b):
    # conv_encoder: Conv1d(dim, dim, k=3, pad=1)
    y = jax.lax.conv_general_dilated(x, conv_w, window_strides=(1,), padding=((1, 1),),
                                     dimension_numbers=("NCH", "OIH", "NCH")) + conv_b[None, :, None]
    # rearrange b d l -> b l d
    y = jnp.transpose(y, (0, 2, 1))
    # pre linear
    y = y @ pre_w.T + pre_b
    b, l, d = y.shape
    # split feature dim into groups (contiguous chunks, same as torch chunk)
    yg = jnp.transpose(y.reshape(b, l, G, DPG), (2, 0, 1, 3))  # (G, b, l, dpg)
    q_groups, idx_groups, loss_groups = [], [], []
    for gi in range(G):
        residual = yg[gi]
        qout = jnp.zeros_like(residual)
        idxs, losses = [], []
        for qi in range(NQ):
            cb = codebooks[gi, qi]  # (CS, DPG)
            d2 = (jnp.sum(residual ** 2, axis=-1, keepdims=True)
                  - 2.0 * (residual @ cb.T)
                  + jnp.sum(cb ** 2, axis=-1)[None, None, :])
            idx = jnp.argmin(d2, axis=-1)  # (b, l)
            qvec = jnp.take(cb, idx, axis=0)  # (b, l, dpg)
            # straight-through estimator
            q_st = residual + jax.lax.stop_gradient(qvec - residual)
            qout = qout + q_st
            losses.append(jnp.mean((jax.lax.stop_gradient(qvec) - residual) ** 2))
            idxs.append(idx)
            residual = residual - jax.lax.stop_gradient(qvec)
        q_groups.append(qout)
        idx_groups.append(jnp.stack(idxs, axis=-1))  # (b, l, NQ)
        loss_groups.append(jnp.stack(losses))  # (NQ,)
    qcat = jnp.transpose(jnp.stack(q_groups, axis=0), (1, 2, 0, 3)).reshape(b, l, d)
    indices = jnp.stack(idx_groups, axis=0)  # (G, b, l, NQ)
    losses = jnp.stack(loss_groups, axis=0)  # (G, NQ)
    # post linear
    q = qcat @ post_w.T + post_b
    # rearrange b l d -> b d l
    q = jnp.transpose(q, (0, 2, 1))
    # conv_decoder output is computed but discarded in the torch module; omitted (dead code)
    return q, indices, losses

def reference(x, conv_w, conv_b, pre_w, pre_b, codebooks, post_w, post_b):
    return _grvq(x, conv_w, conv_b, pre_w, pre_b, codebooks, post_w, post_b)

if __name__ == "__main__":
    import jax
    _d = setup_inputs()
    print(jax.jit(kernel)(*tuple(_d.values())))

</pallas_src>

<mosaic_0001>
#map = affine_map<(d0, d1) -> (0, 0)>
#map1 = affine_map<(d0, d1) -> (0)>
module attributes {stable_mosaic.version = 14 : i64} {
  func.func @k(%arg0: i32, %arg1: i32, %arg2: memref<8192x256xf32, #tpu.memory_space<hbm>>, %arg3: memref<32768xi32, #tpu.memory_space<hbm>>, %arg4: memref<32768x256xf32, #tpu.memory_space<hbm>>, %arg5: memref<256xi32, #tpu.memory_space<vmem>>, %arg6: memref<256x256xf32, #tpu.memory_space<vmem>>, %arg7: memref<!tpu.dma_semaphore, #tpu.memory_space<semaphore_mem>>) attributes {dimension_semantics = [#tpu.dimension_semantics<core_parallel>, #tpu.dimension_semantics<subcore_parallel>], iteration_bounds = array<i64: 2, 16>, scalar_prefetch = 0 : i64, scratch_operands = 3 : i64, tpu.core_type = #tpu.core_type<sc_vector_subcore>, window_params = [{transform_indices = #map}, {transform_indices = #map1}, {transform_indices = #map}]} {
    %mul3A = arith.constant 2 : i32
    %mul3A_0 = arith.muli %arg1, %mul3A : i32
    %add3A = arith.addi %mul3A_0, %arg0 : i32
    %mul3A_1 = arith.constant 1024 : i32
    %mul3A_2 = arith.muli %add3A, %mul3A_1 : i32
    %add3A_3 = arith.constant 0 : i32
    %add3A_4 = arith.addi %mul3A_2, %add3A_3 : i32
    "tpu.region"() ({
      %run_scoped3A = tpu.sem_alloc : memref<!tpu.dma_semaphore, #tpu.memory_space<semaphore_mem>>
      %dma_start3A_33 = tpu.memref_slice %arg3[%add3A_4] : memref<32768xi32, #tpu.memory_space<hbm>> -> memref<256xi32, #tpu.memory_space<hbm>>
      %dma_start3A_34 = tpu.memref_slice %arg3[%add3A_4] : memref<32768xi32, #tpu.memory_space<hbm>> -> memref<256xi32, #tpu.memory_space<hbm>>
      tpu.enqueue_dma source(%dma_start3A_34 : memref<256xi32, #tpu.memory_space<hbm>>) target(%arg5 : memref<256xi32, #tpu.memory_space<vmem>>) target_semaphore(%run_scoped3A : memref<!tpu.dma_semaphore, #tpu.memory_space<semaphore_mem>>)
      %dma_wait3A_35 = tpu.memref_slice %arg3[%add3A_4] : memref<32768xi32, #tpu.memory_space<hbm>> -> memref<256xi32, #tpu.memory_space<hbm>>
      %dma_wait3A_36 = tpu.memref_slice %arg3[%add3A_4] : memref<32768xi32, #tpu.memory_space<hbm>> -> memref<256xi32, #tpu.memory_space<hbm>>
      tpu.wait_dma2 semaphore(%run_scoped3A : memref<!tpu.dma_semaphore, #tpu.memory_space<semaphore_mem>>) src(%dma_wait3A_36 : memref<256xi32, #tpu.memory_space<hbm>>) dst(%arg5 : memref<256xi32, #tpu.memory_space<vmem>>)
      tpu.yield
    }) : () -> ()
    %dma_start3A = arith.constant 0 : i32
    %dma_start3A_5 = arith.constant 0 : i32
    %dma_start3A_6 = tpu.memref_slice %arg2[%dma_start3A, %dma_start3A_5] : memref<8192x256xf32, #tpu.memory_space<hbm>> -> memref<8192x256xf32, #tpu.memory_space<hbm>>
    tpu.enqueue_indirect_dma source(%dma_start3A_6 : memref<8192x256xf32, #tpu.memory_space<hbm>>) target(%arg6 : memref<256x256xf32, #tpu.memory_space<vmem>>) offsets(%arg5 : memref<256xi32, #tpu.memory_space<vmem>>) semaphore(%arg7 : memref<!tpu.dma_semaphore, #tpu.memory_space<semaphore_mem>>)
    %dma_wait3A = arith.constant 0 : i32
    %dma_wait3A_7 = arith.constant 0 : i32
    %dma_wait3A_8 = tpu.memref_slice %arg2[%dma_wait3A, %dma_wait3A_7] : memref<8192x256xf32, #tpu.memory_space<hbm>> -> memref<8192x256xf32, #tpu.memory_space<hbm>>
    tpu.wait_indirect_dma semaphore(%arg7 : memref<!tpu.dma_semaphore, #tpu.memory_space<semaphore_mem>>) src(%dma_wait3A_8 : memref<8192x256xf32, #tpu.memory_space<hbm>>) dst(%arg6 : memref<256x256xf32, #tpu.memory_space<vmem>>)
    "tpu.region"() ({
      %run_scoped3A = tpu.sem_alloc : memref<!tpu.dma_semaphore, #tpu.memory_space<semaphore_mem>>
      %dma_start3A_33 = arith.constant 0 : i32
      %dma_start3A_34 = tpu.memref_slice %arg4[%add3A_4, %dma_start3A_33] : memref<32768x256xf32, #tpu.memory_space<hbm>> -> memref<256x256xf32, #tpu.memory_space<hbm>>
      %dma_start3A_35 = arith.constant 0 : i32
      %dma_start3A_36 = tpu.memref_slice %arg4[%add3A_4, %dma_start3A_35] : memref<32768x256xf32, #tpu.memory_space<hbm>> -> memref<256x256xf32, #tpu.memory_space<hbm>>
      tpu.enqueue_dma source(%arg6 : memref<256x256xf32, #tpu.memory_space<vmem>>) target(%dma_start3A_36 : memref<256x256xf32, #tpu.memory_space<hbm>>) target_semaphore(%run_scoped3A : memref<!tpu.dma_semaphore, #tpu.memory_space<semaphore_mem>>)
      %dma_wait3A_37 = arith.constant 0 : i32
      %dma_wait3A_38 = tpu.memref_slice %arg4[%add3A_4, %dma_wait3A_37] : memref<32768x256xf32, #tpu.memory_space<hbm>> -> memref<256x256xf32, #tpu.memory_space<hbm>>
      %dma_wait3A_39 = arith.constant 0 : i32
      %dma_wait3A_40 = tpu.memref_slice %arg4[%add3A_4, %dma_wait3A_39] : memref<32768x256xf32, #tpu.memory_space<hbm>> -> memref<256x256xf32, #tpu.memory_space<hbm>>
      tpu.wait_dma2 semaphore(%run_scoped3A : memref<!tpu.dma_semaphore, #tpu.memory_space<semaphore_mem>>) src(%arg6 : memref<256x256xf32, #tpu.memory_space<vmem>>) dst(%dma_wait3A_40 : memref<256x256xf32, #tpu.memory_space<hbm>>)
      tpu.yield
    }) : () -> ()
    %add3A_9 = arith.constant 256 : i32
    %add3A_10 = arith.addi %mul3A_2, %add3A_9 : i32
    "tpu.region"() ({
      %run_scoped3A = tpu.sem_alloc : memref<!tpu.dma_semaphore, #tpu.memory_space<semaphore_mem>>
      %dma_start3A_33 = tpu.memref_slice %arg3[%add3A_10] : memref<32768xi32, #tpu.memory_space<hbm>> -> memref<256xi32, #tpu.memory_space<hbm>>
      %dma_start3A_34 = tpu.memref_slice %arg3[%add3A_10] : memref<32768xi32, #tpu.memory_space<hbm>> -> memref<256xi32, #tpu.memory_space<hbm>>
      tpu.enqueue_dma source(%dma_start3A_34 : memref<256xi32, #tpu.memory_space<hbm>>) target(%arg5 : memref<256xi32, #tpu.memory_space<vmem>>) target_semaphore(%run_scoped3A : memref<!tpu.dma_semaphore, #tpu.memory_space<semaphore_mem>>)
      %dma_wait3A_35 = tpu.memref_slice %arg3[%add3A_10] : memref<32768xi32, #tpu.memory_space<hbm>> -> memref<256xi32, #tpu.memory_space<hbm>>
      %dma_wait3A_36 = tpu.memref_slice %arg3[%add3A_10] : memref<32768xi32, #tpu.memory_space<hbm>> -> memref<256xi32, #tpu.memory_space<hbm>>
      tpu.wait_dma2 semaphore(%run_scoped3A : memref<!tpu.dma_semaphore, #tpu.memory_space<semaphore_mem>>) src(%dma_wait3A_36 : memref<256xi32, #tpu.memory_space<hbm>>) dst(%arg5 : memref<256xi32, #tpu.memory_space<vmem>>)
      tpu.yield
    }) : () -> ()
    %dma_start3A_11 = arith.constant 0 : i32
    %dma_start3A_12 = arith.constant 0 : i32
    %dma_start3A_13 = tpu.memref_slice %arg2[%dma_start3A_11, %dma_start3A_12] : memref<8192x256xf32, #tpu.memory_space<hbm>> -> memref<8192x256xf32, #tpu.memory_space<hbm>>
    tpu.enqueue_indirect_dma source(%dma_start3A_13 : memref<8192x256xf32, #tpu.memory_space<hbm>>) target(%arg6 : memref<256x256xf32, #tpu.memory_space<vmem>>) offsets(%arg5 : memref<256xi32, #tpu.memory_space<vmem>>) semaphore(%arg7 : memref<!tpu.dma_semaphore, #tpu.memory_space<semaphore_mem>>)
    %dma_wait3A_14 = arith.constant 0 : i32
    %dma_wait3A_15 = arith.constant 0 : i32
    %dma_wait3A_16 = tpu.memref_slice %arg2[%dma_wait3A_14, %dma_wait3A_15] : memref<8192x256xf32, #tpu.memory_space<hbm>> -> memref<8192x256xf32, #tpu.memory_space<hbm>>
    tpu.wait_indirect_dma semaphore(%arg7 : memref<!tpu.dma_semaphore, #tpu.memory_space<semaphore_mem>>) src(%dma_wait3A_16 : memref<8192x256xf32, #tpu.memory_space<hbm>>) dst(%arg6 : memref<256x256xf32, #tpu.memory_space<vmem>>)
    "tpu.region"() ({
      %run_scoped3A = tpu.sem_alloc : memref<!tpu.dma_semaphore, #tpu.memory_space<semaphore_mem>>
      %dma_start3A_33 = arith.constant 0 : i32
      %dma_start3A_34 = tpu.memref_slice %arg4[%add3A_10, %dma_start3A_33] : memref<32768x256xf32, #tpu.memory_space<hbm>> -> memref<256x256xf32, #tpu.memory_space<hbm>>
      %dma_start3A_35 = arith.constant 0 : i32
      %dma_start3A_36 = tpu.memref_slice %arg4[%add3A_10, %dma_start3A_35] : memref<32768x256xf32, #tpu.memory_space<hbm>> -> memref<256x256xf32, #tpu.memory_space<hbm>>
      tpu.enqueue_dma source(%arg6 : memref<256x256xf32, #tpu.memory_space<vmem>>) target(%dma_start3A_36 : memref<256x256xf32, #tpu.memory_space<hbm>>) target_semaphore(%run_scoped3A : memref<!tpu.dma_semaphore, #tpu.memory_space<semaphore_mem>>)
      %dma_wait3A_37 = arith.constant 0 : i32
      %dma_wait3A_38 = tpu.memref_slice %arg4[%add3A_10, %dma_wait3A_37] : memref<32768x256xf32, #tpu.memory_space<hbm>> -> memref<256x256xf32, #tpu.memory_space<hbm>>
      %dma_wait3A_39 = arith.constant 0 : i32
      %dma_wait3A_40 = tpu.memref_slice %arg4[%add3A_10, %dma_wait3A_39] : memref<32768x256xf32, #tpu.memory_space<hbm>> -> memref<256x256xf32, #tpu.memory_space<hbm>>
      tpu.wait_dma2 semaphore(%run_scoped3A : memref<!tpu.dma_semaphore, #tpu.memory_space<semaphore_mem>>) src(%arg6 : memref<256x256xf32, #tpu.memory_space<vmem>>) dst(%dma_wait3A_40 : memref<256x256xf32, #tpu.memory_space<hbm>>)
      tpu.yield
    }) : () -> ()
    %add3A_17 = arith.constant 512 : i32
    %add3A_18 = arith.addi %mul3A_2, %add3A_17 : i32
    "tpu.region"() ({
      %run_scoped3A = tpu.sem_alloc : memref<!tpu.dma_semaphore, #tpu.memory_space<semaphore_mem>>
      %dma_start3A_33 = tpu.memref_slice %arg3[%add3A_18] : memref<32768xi32, #tpu.memory_space<hbm>> -> memref<256xi32, #tpu.memory_space<hbm>>
      %dma_start3A_34 = tpu.memref_slice %arg3[%add3A_18] : memref<32768xi32, #tpu.memory_space<hbm>> -> memref<256xi32, #tpu.memory_space<hbm>>
      tpu.enqueue_dma source(%dma_start3A_34 : memref<256xi32, #tpu.memory_space<hbm>>) target(%arg5 : memref<256xi32, #tpu.memory_space<vmem>>) target_semaphore(%run_scoped3A : memref<!tpu.dma_semaphore, #tpu.memory_space<semaphore_mem>>)
      %dma_wait3A_35 = tpu.memref_slice %arg3[%add3A_18] : memref<32768xi32, #tpu.memory_space<hbm>> -> memref<256xi32, #tpu.memory_space<hbm>>
      %dma_wait3A_36 = tpu.memref_slice %arg3[%add3A_18] : memref<32768xi32, #tpu.memory_space<hbm>> -> memref<256xi32, #tpu.memory_space<hbm>>
      tpu.wait_dma2 semaphore(%run_scoped3A : memref<!tpu.dma_semaphore, #tpu.memory_space<semaphore_mem>>) src(%dma_wait3A_36 : memref<256xi32, #tpu.memory_space<hbm>>) dst(%arg5 : memref<256xi32, #tpu.memory_space<vmem>>)
      tpu.yield
    }) : () -> ()
    %dma_start3A_19 = arith.constant 0 : i32
    %dma_start3A_20 = arith.constant 0 : i32
    %dma_start3A_21 = tpu.memref_slice %arg2[%dma_start3A_19, %dma_start3A_20] : memref<8192x256xf32, #tpu.memory_space<hbm>> -> memref<8192x256xf32, #tpu.memory_space<hbm>>
    tpu.enqueue_indirect_dma source(%dma_start3A_21 : memref<8192x256xf32, #tpu.memory_space<hbm>>) target(%arg6 : memref<256x256xf32, #tpu.memory_space<vmem>>) offsets(%arg5 : memref<256xi32, #tpu.memory_space<vmem>>) semaphore(%arg7 : memref<!tpu.dma_semaphore, #tpu.memory_space<semaphore_mem>>)
    %dma_wait3A_22 = arith.constant 0 : i32
    %dma_wait3A_23 = arith.constant 0 : i32
    %dma_wait3A_24 = tpu.memref_slice %arg2[%dma_wait3A_22, %dma_wait3A_23] : memref<8192x256xf32, #tpu.memory_space<hbm>> -> memref<8192x256xf32, #tpu.memory_space<hbm>>
    tpu.wait_indirect_dma semaphore(%arg7 : memref<!tpu.dma_semaphore, #tpu.memory_space<semaphore_mem>>) src(%dma_wait3A_24 : memref<8192x256xf32, #tpu.memory_space<hbm>>) dst(%arg6 : memref<256x256xf32, #tpu.memory_space<vmem>>)
    "tpu.region"() ({
      %run_scoped3A = tpu.sem_alloc : memref<!tpu.dma_semaphore, #tpu.memory_space<semaphore_mem>>
      %dma_start3A_33 = arith.constant 0 : i32
      %dma_start3A_34 = tpu.memref_slice %arg4[%add3A_18, %dma_start3A_33] : memref<32768x256xf32, #tpu.memory_space<hbm>> -> memref<256x256xf32, #tpu.memory_space<hbm>>
      %dma_start3A_35 = arith.constant 0 : i32
      %dma_start3A_36 = tpu.memref_slice %arg4[%add3A_18, %dma_start3A_35] : memref<32768x256xf32, #tpu.memory_space<hbm>> -> memref<256x256xf32, #tpu.memory_space<hbm>>
      tpu.enqueue_dma source(%arg6 : memref<256x256xf32, #tpu.memory_space<vmem>>) target(%dma_start3A_36 : memref<256x256xf32, #tpu.memory_space<hbm>>) target_semaphore(%run_scoped3A : memref<!tpu.dma_semaphore, #tpu.memory_space<semaphore_mem>>)
      %dma_wait3A_37 = arith.constant 0 : i32
      %dma_wait3A_38 = tpu.memref_slice %arg4[%add3A_18, %dma_wait3A_37] : memref<32768x256xf32, #tpu.memory_space<hbm>> -> memref<256x256xf32, #tpu.memory_space<hbm>>
      %dma_wait3A_39 = arith.constant 0 : i32
      %dma_wait3A_40 = tpu.memref_slice %arg4[%add3A_18, %dma_wait3A_39] : memref<32768x256xf32, #tpu.memory_space<hbm>> -> memref<256x256xf32, #tpu.memory_space<hbm>>
      tpu.wait_dma2 semaphore(%run_scoped3A : memref<!tpu.dma_semaphore, #tpu.memory_space<semaphore_mem>>) src(%arg6 : memref<256x256xf32, #tpu.memory_space<vmem>>) dst(%dma_wait3A_40 : memref<256x256xf32, #tpu.memory_space<hbm>>)
      tpu.yield
    }) : () -> ()
    %add3A_25 = arith.constant 768 : i32
    %add3A_26 = arith.addi %mul3A_2, %add3A_25 : i32
    "tpu.region"() ({
      %run_scoped3A = tpu.sem_alloc : memref<!tpu.dma_semaphore, #tpu.memory_space<semaphore_mem>>
      %dma_start3A_33 = tpu.memref_slice %arg3[%add3A_26] : memref<32768xi32, #tpu.memory_space<hbm>> -> memref<256xi32, #tpu.memory_space<hbm>>
      %dma_start3A_34 = tpu.memref_slice %arg3[%add3A_26] : memref<32768xi32, #tpu.memory_space<hbm>> -> memref<256xi32, #tpu.memory_space<hbm>>
      tpu.enqueue_dma source(%dma_start3A_34 : memref<256xi32, #tpu.memory_space<hbm>>) target(%arg5 : memref<256xi32, #tpu.memory_space<vmem>>) target_semaphore(%run_scoped3A : memref<!tpu.dma_semaphore, #tpu.memory_space<semaphore_mem>>)
      %dma_wait3A_35 = tpu.memref_slice %arg3[%add3A_26] : memref<32768xi32, #tpu.memory_space<hbm>> -> memref<256xi32, #tpu.memory_space<hbm>>
      %dma_wait3A_36 = tpu.memref_slice %arg3[%add3A_26] : memref<32768xi32, #tpu.memory_space<hbm>> -> memref<256xi32, #tpu.memory_space<hbm>>
      tpu.wait_dma2 semaphore(%run_scoped3A : memref<!tpu.dma_semaphore, #tpu.memory_space<semaphore_mem>>) src(%dma_wait3A_36 : memref<256xi32, #tpu.memory_space<hbm>>) dst(%arg5 : memref<256xi32, #tpu.memory_space<vmem>>)
      tpu.yield
    }) : () -> ()
    %dma_start3A_27 = arith.constant 0 : i32
    %dma_start3A_28 = arith.constant 0 : i32
    %dma_start3A_29 = tpu.memref_slice %arg2[%dma_start3A_27, %dma_start3A_28] : memref<8192x256xf32, #tpu.memory_space<hbm>> -> memref<8192x256xf32, #tpu.memory_space<hbm>>
    tpu.enqueue_indirect_dma source(%dma_start3A_29 : memref<8192x256xf32, #tpu.memory_space<hbm>>) target(%arg6 : memref<256x256xf32, #tpu.memory_space<vmem>>) offsets(%arg5 : memref<256xi32, #tpu.memory_space<vmem>>) semaphore(%arg7 : memref<!tpu.dma_semaphore, #tpu.memory_space<semaphore_mem>>)
    %dma_wait3A_30 = arith.constant 0 : i32
    %dma_wait3A_31 = arith.constant 0 : i32
    %dma_wait3A_32 = tpu.memref_slice %arg2[%dma_wait3A_30, %dma_wait3A_31] : memref<8192x256xf32, #tpu.memory_space<hbm>> -> memref<8192x256xf32, #tpu.memory_space<hbm>>
    tpu.wait_indirect_dma semaphore(%arg7 : memref<!tpu.dma_semaphore, #tpu.memory_space<semaphore_mem>>) src(%dma_wait3A_32 : memref<8192x256xf32, #tpu.memory_space<hbm>>) dst(%arg6 : memref<256x256xf32, #tpu.memory_space<vmem>>)
    "tpu.region"() ({
      %run_scoped3A = tpu.sem_alloc : memref<!tpu.dma_semaphore, #tpu.memory_space<semaphore_mem>>
      %dma_start3A_33 = arith.constant 0 : i32
      %dma_start3A_34 = tpu.memref_slice %arg4[%add3A_26, %dma_start3A_33] : memref<32768x256xf32, #tpu.memory_space<hbm>> -> memref<256x256xf32, #tpu.memory_space<hbm>>
      %dma_start3A_35 = arith.constant 0 : i32
      %dma_start3A_36 = tpu.memref_slice %arg4[%add3A_26, %dma_start3A_35] : memref<32768x256xf32, #tpu.memory_space<hbm>> -> memref<256x256xf32, #tpu.memory_space<hbm>>
      tpu.enqueue_dma source(%arg6 : memref<256x256xf32, #tpu.memory_space<vmem>>) target(%dma_start3A_36 : memref<256x256xf32, #tpu.memory_space<hbm>>) target_semaphore(%run_scoped3A : memref<!tpu.dma_semaphore, #tpu.memory_space<semaphore_mem>>)
      %dma_wait3A_37 = arith.constant 0 : i32
      %dma_wait3A_38 = tpu.memref_slice %arg4[%add3A_26, %dma_wait3A_37] : memref<32768x256xf32, #tpu.memory_space<hbm>> -> memref<256x256xf32, #tpu.memory_space<hbm>>
      %dma_wait3A_39 = arith.constant 0 : i32
      %dma_wait3A_40 = tpu.memref_slice %arg4[%add3A_26, %dma_wait3A_39] : memref<32768x256xf32, #tpu.memory_space<hbm>> -> memref<256x256xf32, #tpu.memory_space<hbm>>
      tpu.wait_dma2 semaphore(%run_scoped3A : memref<!tpu.dma_semaphore, #tpu.memory_space<semaphore_mem>>) src(%arg6 : memref<256x256xf32, #tpu.memory_space<vmem>>) dst(%dma_wait3A_40 : memref<256x256xf32, #tpu.memory_space<hbm>>)
      tpu.yield
    }) : () -> ()
    return
  }
}

module attributes {stable_mosaic.version = 14 : i64} {
  func.func @_body(%arg0: i32, %arg1: memref<1x512x512xbf16, #tpu.memory_space<vmem>>, %arg2: memref<3x512x512xbf16, #tpu.memory_space<vmem>>, %arg3: memref<512x512xbf16, #tpu.memory_space<vmem>>, %arg4: memref<512x512xbf16, #tpu.memory_space<vmem>>, %arg5: memref<2x4x1024x256xf32, #tpu.memory_space<vmem>>, %arg6: memref<2x4x1024x256xbf16, #tpu.memory_space<vmem>>, %arg7: memref<2x4x256x1024xbf16, #tpu.memory_space<vmem>>, %arg8: memref<2x4x256x1024xbf16, #tpu.memory_space<vmem>>, %arg9: memref<2x4x256x1024xbf16, #tpu.memory_space<vmem>>, %arg10: memref<512x1xf32, #tpu.memory_space<vmem>>, %arg11: memref<512x1xf32, #tpu.memory_space<vmem>>, %arg12: memref<512x1xf32, #tpu.memory_space<vmem>>, %arg13: memref<1x512x512xf32, #tpu.memory_space<vmem>>, %arg14: memref<1x8x512xi32, #tpu.memory_space<vmem>>, %arg15: memref<1x8x128xf32, #tpu.memory_space<vmem>>) attributes {dimension_semantics = [#tpu.dimension_semantics<arbitrary>], iteration_bounds = array<i64: 8>, scalar_prefetch = 0 : i64, scratch_operands = 0 : i64, tpu.core_type = #tpu.core_type<tc>, window_params = [{transform_indices = @transform_0, window_bounds = array<i64: 1, 512, 512>}, {pipeline_mode = #tpu.pipeline_mode<synchronous>, transform_indices = @transform_1, window_bounds = array<i64: 3, 512, 512>}, {pipeline_mode = #tpu.pipeline_mode<synchronous>, transform_indices = @transform_2, window_bounds = array<i64: 512, 512>}, {pipeline_mode = #tpu.pipeline_mode<synchronous>, transform_indices = @transform_3, window_bounds = array<i64: 512, 512>}, {pipeline_mode = #tpu.pipeline_mode<synchronous>, transform_indices = @transform_4, window_bounds = array<i64: 2, 4, 1024, 256>}, {pipeline_mode = #tpu.pipeline_mode<synchronous>, transform_indices = @transform_5, window_bounds = array<i64: 2, 4, 1024, 256>}, {pipeline_mode = #tpu.pipeline_mode<synchronous>, transform_indices = @transform_6, window_bounds = array<i64: 2, 4, 256, 1024>}, {pipeline_mode = #tpu.pipeline_mode<synchronous>, transform_indices = @transform_7, window_bounds = array<i64: 2, 4, 256, 1024>}, {pipeline_mode = #tpu.pipeline_mode<synchronous>, transform_indices = @transform_8, window_bounds = array<i64: 2, 4, 256, 1024>}, {pipeline_mode = #tpu.pipeline_mode<synchronous>, transform_indices = @transform_9, window_bounds = array<i64: 512, 1>}, {pipeline_mode = #tpu.pipeline_mode<synchronous>, transform_indices = @transform_10, window_bounds = array<i64: 512, 1>}, {pipeline_mode = #tpu.pipeline_mode<synchronous>, transform_indices = @transform_11, window_bounds = array<i64: 512, 1>}, {transform_indices = @transform_12, window_bounds = array<i64: 1, 512, 512>}, {transform_indices = @transform_13, window_bounds = array<i64: 1, 8, 512>}, {transform_indices = @transform_14, window_bounds = array<i64: 1, 8, 128>}]} {
    %get3A = arith.constant 0 : index
    %get3A_0 = arith.constant 0 : index
    %get3A_1 = arith.constant 0 : index
    %get3A_2 = vector.load %arg1[%get3A, %get3A_0, %get3A_1] : memref<1x512x512xbf16, #tpu.memory_space<vmem>>, vector<1x512x512xbf16>
    %get3A_3 = vector.shape_cast %get3A_2 : vector<1x512x512xbf16> to vector<512x512xbf16>
    %get3A_4 = arith.constant 0 : index
    %get3A_5 = arith.constant 0 : index
    %get3A_6 = arith.constant 0 : index
    %get3A_7 = vector.load %arg2[%get3A_4, %get3A_5, %get3A_6] : memref<3x512x512xbf16, #tpu.memory_space<vmem>>, vector<1x512x512xbf16>
    %get3A_8 = vector.shape_cast %get3A_7 : vector<1x512x512xbf16> to vector<512x512xbf16>
    %dot_general3A = arith.constant dense<0.000000e+00> : vector<512x512xf32>
    %dot_general3A_9 = tpu.matmul %get3A_8, %get3A_3, %dot_general3A {dimension_numbers = #tpu.dot_dimension_numbers<[1], [0], [0], [1], [0, 0, 1, 1], [], []>, transpose_lhs_hint = false} : vector<512x512xbf16>, vector<512x512xbf16>, vector<512x512xf32> -> vector<512x512xf32>
    %get3A_10 = arith.constant 1 : index
    %get3A_11 = arith.constant 0 : index
    %get3A_12 = arith.constant 0 : index
    %get3A_13 = vector.load %arg2[%get3A_10, %get3A_11, %get3A_12] : memref<3x512x512xbf16, #tpu.memory_space<vmem>>, vector<1x512x512xbf16>
    %get3A_14 = vector.shape_cast %get3A_13 : vector<1x512x512xbf16> to vector<512x512xbf16>
    %dot_general3A_15 = arith.constant dense<0.000000e+00> : vector<512x512xf32>
    %dot_general3A_16 = tpu.matmul %get3A_14, %get3A_3, %dot_general3A_15 {dimension_numbers = #tpu.dot_dimension_numbers<[1], [0], [0], [1], [0, 0, 1, 1], [], []>, transpose_lhs_hint = false} : vector<512x512xbf16>, vector<512x512xbf16>, vector<512x512xf32> -> vector<512x512xf32>
    %get3A_17 = arith.constant 2 : index
    %get3A_18 = arith.constant 0 : index
    %get3A_19 = arith.constant 0 : index
    %get3A_20 = vector.load %arg2[%get3A_17, %get3A_18, %get3A_19] : memref<3x512x512xbf16, #tpu.memory_space<vmem>>, vector<1x512x512xbf16>
    %get3A_21 = vector.shape_cast %get3A_20 : vector<1x512x512xbf16> to vector<512x512xbf16>
    %dot_general3A_22 = arith.constant dense<0.000000e+00> : vector<512x512xf32>
    %dot_general3A_23 = tpu.matmul %get3A_21, %get3A_3, %dot_general3A_22 {dimension_numbers = #tpu.dot_dimension_numbers<[1], [0], [0], [1], [0, 0, 1, 1], [], []>, transpose_lhs_hint = false} : vector<512x512xbf16>, vector<512x512xbf16>, vector<512x512xf32> -> vector<512x512xf32>
    %broadcast_in_dim3A = arith.constant 0.000000e+00 : f32
    %broadcast_in_dim3A_24 = vector.broadcast %broadcast_in_dim3A : f32 to vector<512x1xf32>
    %slice3A = vector.extract_strided_slice %dot_general3A_9 {offsets = [0, 0], sizes = [512, 511], strides = [1, 1]} : vector<512x512xf32> to vector<512x511xf32>
    %concatenate3A = tpu.concatenate %broadcast_in_dim3A_24, %slice3A in 1 : vector<512x1xf32>, vector<512x511xf32> -> vector<512x512xf32>
    %add3A = arith.addf %dot_general3A_16, %concatenate3A : vector<512x512xf32>
    %slice3A_25 = vector.extract_strided_slice %dot_general3A_23 {offsets = [0, 1], sizes = [512, 511], strides = [1, 1]} : vector<512x512xf32> to vector<512x511xf32>
    %concatenate3A_26 = tpu.concatenate %slice3A_25, %broadcast_in_dim3A_24 in 1 : vector<512x511xf32>, vector<512x1xf32> -> vector<512x512xf32>
    %add3A_27 = arith.addf %add3A, %concatenate3A_26 : vector<512x512xf32>
    %get3A_28 = arith.constant 0 : index
    %get3A_29 = arith.constant 0 : index
    %get3A_30 = vector.load %arg10[%get3A_28, %get3A_29] : memref<512x1xf32, #tpu.memory_space<vmem>>, vector<512x1xf32>
    %add3A_31 = vector.broadcast %get3A_30 : vector<512x1xf32> to vector<512x512xf32>
    %add3A_32 = arith.addf %add3A_27, %add3A_31 : vector<512x512xf32>
    %get3A_33 = arith.constant 0 : index
    %get3A_34 = arith.constant 0 : index
    %get3A_35 = vector.load %arg3[%get3A_33, %get3A_34] : memref<512x512xbf16, #tpu.memory_space<vmem>>, vector<512x512xbf16>
    %convert_element_type3A = arith.truncf %add3A_32 : vector<512x512xf32> to vector<512x512xbf16>
    %dot_general3A_36 = arith.constant dense<0.000000e+00> : vector<512x512xf32>
    %dot_general3A_37 = tpu.matmul %get3A_35, %convert_element_type3A, %dot_general3A_36 {dimension_numbers = #tpu.dot_dimension_numbers<[1], [0], [0], [1], [0, 0, 1, 1], [], []>, transpose_lhs_hint = false} : vector<512x512xbf16>, vector<512x512xbf16>, vector<512x512xf32> -> vector<512x512xf32>
    %get3A_38 = arith.constant 0 : index
    %get3A_39 = arith.constant 0 : index
    %get3A_40 = vector.load %arg11[%get3A_38, %get3A_39] : memref<512x1xf32, #tpu.memory_space<vmem>>, vector<512x1xf32>
    %add3A_41 = vector.broadcast %get3A_40 : vector<512x1xf32> to vector<512x512xf32>
    %add3A_42 = arith.addf %dot_general3A_37, %add3A_41 : vector<512x512xf32>
    %iota3A = tpu.iota {dimensions = array<i32: 0>} : vector<1024x512xi32>
    %slice3A_43 = vector.extract_strided_slice %add3A_42 {offsets = [0, 0], sizes = [256, 512], strides = [1, 1]} : vector<512x512xf32> to vector<256x512xf32>
    %get3A_44 = arith.constant 0 : index
    %get3A_45 = arith.constant 0 : index
    %get3A_46 = arith.constant 0 : index
    %get3A_47 = arith.constant 0 : index
    %get3A_48 = vector.load %arg5[%get3A_44, %get3A_45, %get3A_46, %get3A_47] : memref<2x4x1024x256xf32, #tpu.memory_space<vmem>>, vector<1x1x1024x256xf32>
    %get3A_49 = vector.shape_cast %get3A_48 : vector<1x1x1024x256xf32> to vector<1024x256xf32>
    %mul3A = arith.mulf %get3A_49, %get3A_49 : vector<1024x256xf32>
    %reduce_sum3A = arith.constant dense<0.000000e+00> : vector<1024xf32>
    %reduce_sum3A_50 = vector.multi_reduction <add>, %mul3A, %reduce_sum3A [1] : vector<1024x256xf32> to vector<1024xf32>
    %broadcast_in_dim3A_51 = vector.shape_cast %reduce_sum3A_50 : vector<1024xf32> to vector<1024x1xf32>
    %get3A_52 = arith.constant 0 : index
    %get3A_53 = arith.constant 0 : index
    %get3A_54 = arith.constant 0 : index
    %get3A_55 = arith.constant 0 : index
    %get3A_56 = vector.load %arg6[%get3A_52, %get3A_53, %get3A_54, %get3A_55] : memref<2x4x1024x256xbf16, #tpu.memory_space<vmem>>, vector<1x1x1024x256xbf16>
    %get3A_57 = vector.shape_cast %get3A_56 : vector<1x1x1024x256xbf16> to vector<1024x256xbf16>
    %convert_element_type3A_58 = arith.truncf %slice3A_43 : vector<256x512xf32> to vector<256x512xbf16>
    %dot_general3A_59 = arith.constant dense<0.000000e+00> : vector<1024x512xf32>
    %dot_general3A_60 = tpu.matmul %get3A_57, %convert_element_type3A_58, %dot_general3A_59 {dimension_numbers = #tpu.dot_dimension_numbers<[1], [0], [0], [1], [0, 0, 1, 1], [], []>, transpose_lhs_hint = false} : vector<1024x256xbf16>, vector<256x512xbf16>, vector<1024x512xf32> -> vector<1024x512xf32>
    %add3A_61 = vector.broadcast %broadcast_in_dim3A_51 : vector<1024x1xf32> to vector<1024x512xf32>
    %add3A_62 = arith.addf %dot_general3A_60, %add3A_61 : vector<1024x512xf32>
    %reduce_min3A = arith.constant dense<0x7F800000> : vector<512xf32>
    %reduce_min3A_63 = vector.multi_reduction <minimumf>, %add3A_62, %reduce_min3A [0] : vector<1024x512xf32> to vector<512xf32>
    %broadcast_in_dim3A_64 = vector.shape_cast %reduce_min3A_63 : vector<512xf32> to vector<1x512xf32>
    %le3A = vector.broadcast %broadcast_in_dim3A_64 : vector<1x512xf32> to vector<1024x512xf32>
    %le3A_65 = arith.cmpf ole, %add3A_62, %le3A : vector<1024x512xf32>
    %jit3A = arith.constant 1024 : i32
    %broadcast_in_dim3A_66 = vector.broadcast %jit3A : i32 to vector<1024x512xi32>
    %select_n3A = arith.select %le3A_65, %iota3A, %broadcast_in_dim3A_66 : vector<1024x512xi1>, vector<1024x512xi32>
    %reduce_min3A_67 = arith.constant dense<2147483647> : vector<512xi32>
    %reduce_min3A_68 = vector.multi_reduction <minsi>, %select_n3A, %reduce_min3A_67 [0] : vector<1024x512xi32> to vector<512xi32>
    %broadcast_in_dim3A_69 = vector.shape_cast %reduce_min3A_68 : vector<512xi32> to vector<1x512xi32>
    %eq3A = vector.broadcast %broadcast_in_dim3A_69 : vector<1x512xi32> to vector<1024x512xi32>
    %eq3A_70 = arith.cmpi eq, %iota3A, %eq3A : vector<1024x512xi32>
    %convert_element_type3A_71 = arith.extui %eq3A_70 : vector<1024x512xi1> to vector<1024x512xi32>
    %convert_element_type3A_72 = arith.sitofp %convert_element_type3A_71 : vector<1024x512xi32> to vector<1024x512xf32>
    %convert_element_type3A_73 = arith.truncf %convert_element_type3A_72 : vector<1024x512xf32> to vector<1024x512xbf16>
    %get3A_74 = arith.constant 0 : index
    %get3A_75 = arith.constant 0 : index
    %get3A_76 = arith.constant 0 : index
    %get3A_77 = arith.constant 0 : index
    %get3A_78 = vector.load %arg7[%get3A_74, %get3A_75, %get3A_76, %get3A_77] : memref<2x4x256x1024xbf16, #tpu.memory_space<vmem>>, vector<1x1x256x1024xbf16>
    %get3A_79 = vector.shape_cast %get3A_78 : vector<1x1x256x1024xbf16> to vector<256x1024xbf16>
    %dot_general3A_80 = arith.constant dense<0.000000e+00> : vector<256x512xf32>
    %dot_general3A_81 = tpu.matmul %get3A_79, %convert_element_type3A_73, %dot_general3A_80 {dimension_numbers = #tpu.dot_dimension_numbers<[1], [0], [0], [1], [0, 0, 1, 1], [], []>, transpose_lhs_hint = false} : vector<256x1024xbf16>, vector<1024x512xbf16>, vector<256x512xf32> -> vector<256x512xf32>
    %get3A_82 = arith.constant 0 : index
    %get3A_83 = arith.constant 0 : index
    %get3A_84 = arith.constant 0 : index
    %get3A_85 = arith.constant 0 : index
    %get3A_86 = vector.load %arg8[%get3A_82, %get3A_83, %get3A_84, %get3A_85] : memref<2x4x256x1024xbf16, #tpu.memory_space<vmem>>, vector<1x1x256x1024xbf16>
    %get3A_87 = vector.shape_cast %get3A_86 : vector<1x1x256x1024xbf16> to vector<256x1024xbf16>
    %dot_general3A_88 = arith.constant dense<0.000000e+00> : vector<256x512xf32>
    %dot_general3A_89 = tpu.matmul %get3A_87, %convert_element_type3A_73, %dot_general3A_88 {dimension_numbers = #tpu.dot_dimension_numbers<[1], [0], [0], [1], [0, 0, 1, 1], [], []>, transpose_lhs_hint = false} : vector<256x1024xbf16>, vector<1024x512xbf16>, vector<256x512xf32> -> vector<256x512xf32>
    %mul3A_90 = arith.constant 1.52587891E-5 : f32
    %mul3A_91 = vector.broadcast %mul3A_90 : f32 to vector<256x512xf32>
    %mul3A_92 = arith.mulf %dot_general3A_89, %mul3A_91 : vector<256x512xf32>
    %add3A_93 = arith.addf %dot_general3A_81, %mul3A_92 : vector<256x512xf32>
    %get3A_94 = arith.constant 0 : index
    %get3A_95 = arith.constant 0 : index
    %get3A_96 = arith.constant 0 : index
    %get3A_97 = arith.constant 0 : index
    %get3A_98 = vector.load %arg9[%get3A_94, %get3A_95, %get3A_96, %get3A_97] : memref<2x4x256x1024xbf16, #tpu.memory_space<vmem>>, vector<1x1x256x1024xbf16>
    %get3A_99 = vector.shape_cast %get3A_98 : vector<1x1x256x1024xbf16> to vector<256x1024xbf16>
    %dot_general3A_100 = arith.constant dense<0.000000e+00> : vector<256x512xf32>
    %dot_general3A_101 = tpu.matmul %get3A_99, %convert_element_type3A_73, %dot_general3A_100 {dimension_numbers = #tpu.dot_dimension_numbers<[1], [0], [0], [1], [0, 0, 1, 1], [], []>, transpose_lhs_hint = false} : vector<256x1024xbf16>, vector<1024x512xbf16>, vector<256x512xf32> -> vector<256x512xf32>
    %mul3A_102 = arith.constant 2.32830644E-10 : f32
    %mul3A_103 = vector.broadcast %mul3A_102 : f32 to vector<256x512xf32>
    %mul3A_104 = arith.mulf %dot_general3A_101, %mul3A_103 : vector<256x512xf32>
    %add3A_105 = arith.addf %add3A_93, %mul3A_104 : vector<256x512xf32>
    %sub3A = arith.subf %slice3A_43, %add3A_105 : vector<256x512xf32>
    %mul3A_106 = arith.mulf %sub3A, %sub3A : vector<256x512xf32>
    %reduce_sum3A_107 = vector.shape_cast %mul3A_106 : vector<256x512xf32> to vector<1x256x512xf32>
    %reduce_sum3A_108 = arith.constant dense<0.000000e+00> : vector<1xf32>
    %reduce_sum3A_109 = vector.multi_reduction <add>, %reduce_sum3A_107, %reduce_sum3A_108 [1, 2] : vector<1x256x512xf32> to vector<1xf32>
    %reduce_sum3A_110 = vector.shape_cast %reduce_sum3A_109 : vector<1xf32> to vector<1x1x1xf32>
    %reduce_sum3A_111 = vector.extract %reduce_sum3A_110[0, 0, 0] : f32 from vector<1x1x1xf32>
    %get3A_112 = arith.constant 0 : index
    %get3A_113 = arith.constant 1 : index
    %get3A_114 = arith.constant 0 : index
    %get3A_115 = arith.constant 0 : index
    %get3A_116 = vector.load %arg5[%get3A_112, %get3A_113, %get3A_114, %get3A_115] : memref<2x4x1024x256xf32, #tpu.memory_space<vmem>>, vector<1x1x1024x256xf32>
    %get3A_117 = vector.shape_cast %get3A_116 : vector<1x1x1024x256xf32> to vector<1024x256xf32>
    %mul3A_118 = arith.mulf %get3A_117, %get3A_117 : vector<1024x256xf32>
    %reduce_sum3A_119 = arith.constant dense<0.000000e+00> : vector<1024xf32>
    %reduce_sum3A_120 = vector.multi_reduction <add>, %mul3A_118, %reduce_sum3A_119 [1] : vector<1024x256xf32> to vector<1024xf32>
    %broadcast_in_dim3A_121 = vector.shape_cast %reduce_sum3A_120 : vector<1024xf32> to vector<1024x1xf32>
    %get3A_122 = arith.constant 0 : index
    %get3A_123 = arith.constant 1 : index
    %get3A_124 = arith.constant 0 : index
    %get3A_125 = arith.constant 0 : index
    %get3A_126 = vector.load %arg6[%get3A_122, %get3A_123, %get3A_124, %get3A_125] : memref<2x4x1024x256xbf16, #tpu.memory_space<vmem>>, vector<1x1x1024x256xbf16>
    %get3A_127 = vector.shape_cast %get3A_126 : vector<1x1x1024x256xbf16> to vector<1024x256xbf16>
    %convert_element_type3A_128 = arith.truncf %sub3A : vector<256x512xf32> to vector<256x512xbf16>
    %dot_general3A_129 = arith.constant dense<0.000000e+00> : vector<1024x512xf32>
    %dot_general3A_130 = tpu.matmul %get3A_127, %convert_element_type3A_128, %dot_general3A_129 {dimension_numbers = #tpu.dot_dimension_numbers<[1], [0], [0], [1], [0, 0, 1, 1], [], []>, transpose_lhs_hint = false} : vector<1024x256xbf16>, vector<256x512xbf16>, vector<1024x512xf32> -> vector<1024x512xf32>
    %add3A_131 = vector.broadcast %broadcast_in_dim3A_121 : vector<1024x1xf32> to vector<1024x512xf32>
    %add3A_132 = arith.addf %dot_general3A_130, %add3A_131 : vector<1024x512xf32>
    %reduce_min3A_133 = arith.constant dense<0x7F800000> : vector<512xf32>
    %reduce_min3A_134 = vector.multi_reduction <minimumf>, %add3A_132, %reduce_min3A_133 [0] : vector<1024x512xf32> to vector<512xf32>
    %broadcast_in_dim3A_135 = vector.shape_cast %reduce_min3A_134 : vector<512xf32> to vector<1x512xf32>
    %le3A_136 = vector.broadcast %broadcast_in_dim3A_135 : vector<1x512xf32> to vector<1024x512xf32>
    %le3A_137 = arith.cmpf ole, %add3A_132, %le3A_136 : vector<1024x512xf32>
    %jit3A_138 = arith.constant 1024 : i32
    %broadcast_in_dim3A_139 = vector.broadcast %jit3A_138 : i32 to vector<1024x512xi32>
    %select_n3A_140 = arith.select %le3A_137, %iota3A, %broadcast_in_dim3A_139 : vector<1024x512xi1>, vector<1024x512xi32>
    %reduce_min3A_141 = arith.constant dense<2147483647> : vector<512xi32>
    %reduce_min3A_142 = vector.multi_reduction <minsi>, %select_n3A_140, %reduce_min3A_141 [0] : vector<1024x512xi32> to vector<512xi32>
    %broadcast_in_dim3A_143 = vector.shape_cast %reduce_min3A_142 : vector<512xi32> to vector<1x512xi32>
    %eq3A_144 = vector.broadcast %broadcast_in_dim3A_143 : vector<1x512xi32> to vector<1024x512xi32>
    %eq3A_145 = arith.cmpi eq, %iota3A, %eq3A_144 : vector<1024x512xi32>
    %convert_element_type3A_146 = arith.extui %eq3A_145 : vector<1024x512xi1> to vector<1024x512xi32>
    %convert_element_type3A_147 = arith.sitofp %convert_element_type3A_146 : vector<1024x512xi32> to vector<1024x512xf32>
    %convert_element_type3A_148 = arith.truncf %convert_element_type3A_147 : vector<1024x512xf32> to vector<1024x512xbf16>
    %get3A_149 = arith.constant 0 : index
    %get3A_150 = arith.constant 1 : index
    %get3A_151 = arith.constant 0 : index
    %get3A_152 = arith.constant 0 : index
    %get3A_153 = vector.load %arg7[%get3A_149, %get3A_150, %get3A_151, %get3A_152] : memref<2x4x256x1024xbf16, #tpu.memory_space<vmem>>, vector<1x1x256x1024xbf16>
    %get3A_154 = vector.shape_cast %get3A_153 : vector<1x1x256x1024xbf16> to vector<256x1024xbf16>
    %dot_general3A_155 = arith.constant dense<0.000000e+00> : vector<256x512xf32>
    %dot_general3A_156 = tpu.matmul %get3A_154, %convert_element_type3A_148, %dot_general3A_155 {dimension_numbers = #tpu.dot_dimension_numbers<[1], [0], [0], [1], [0, 0, 1, 1], [], []>, transpose_lhs_hint = false} : vector<256x1024xbf16>, vector<1024x512xbf16>, vector<256x512xf32> -> vector<256x512xf32>
    %get3A_157 = arith.constant 0 : index
    %get3A_158 = arith.constant 1 : index
    %get3A_159 = arith.constant 0 : index
    %get3A_160 = arith.constant 0 : index
    %get3A_161 = vector.load %arg8[%get3A_157, %get3A_158, %get3A_159, %get3A_160] : memref<2x4x256x1024xbf16, #tpu.memory_space<vmem>>, vector<1x1x256x1024xbf16>
    %get3A_162 = vector.shape_cast %get3A_161 : vector<1x1x256x1024xbf16> to vector<256x1024xbf16>
    %dot_general3A_163 = arith.constant dense<0.000000e+00> : vector<256x512xf32>
    %dot_general3A_164 = tpu.matmul %get3A_162, %convert_element_type3A_148, %dot_general3A_163 {dimension_numbers = #tpu.dot_dimension_numbers<[1], [0], [0], [1], [0, 0, 1, 1], [], []>, transpose_lhs_hint = false} : vector<256x1024xbf16>, vector<1024x512xbf16>, vector<256x512xf32> -> vector<256x512xf32>
    %mul3A_165 = arith.constant 1.52587891E-5 : f32
    %mul3A_166 = vector.broadcast %mul3A_165 : f32 to vector<256x512xf32>
    %mul3A_167 = arith.mulf %dot_general3A_164, %mul3A_166 : vector<256x512xf32>
    %add3A_168 = arith.addf %dot_general3A_156, %mul3A_167 : vector<256x512xf32>
    %get3A_169 = arith.constant 0 : index
    %get3A_170 = arith.constant 1 : index
    %get3A_171 = arith.constant 0 : index
    %get3A_172 = arith.constant 0 : index
    %get3A_173 = vector.load %arg9[%get3A_169, %get3A_170, %get3A_171, %get3A_172] : memref<2x4x256x1024xbf16, #tpu.memory_space<vmem>>, vector<1x1x256x1024xbf16>
    %get3A_174 = vector.shape_cast %get3A_173 : vector<1x1x256x1024xbf16> to vector<256x1024xbf16>
    %dot_general3A_175 = arith.constant dense<0.000000e+00> : vector<256x512xf32>
    %dot_general3A_176 = tpu.matmul %get3A_174, %convert_element_type3A_148, %dot_general3A_175 {dimension_numbers = #tpu.dot_dimension_numbers<[1], [0], [0], [1], [0, 0, 1, 1], [], []>, transpose_lhs_hint = false} : vector<256x1024xbf16>, vector<1024x512xbf16>, vector<256x512xf32> -> vector<256x512xf32>
    %mul3A_177 = arith.constant 2.32830644E-10 : f32
    %mul3A_178 = vector.broadcast %mul3A_177 : f32 to vector<256x512xf32>
    %mul3A_179 = arith.mulf %dot_general3A_176, %mul3A_178 : vector<256x512xf32>
    %add3A_180 = arith.addf %add3A_168, %mul3A_179 : vector<256x512xf32>
    %sub3A_181 = arith.subf %sub3A, %add3A_180 : vector<256x512xf32>
    %mul3A_182 = arith.mulf %sub3A_181, %sub3A_181 : vector<256x512xf32>
    %reduce_sum3A_183 = vector.shape_cast %mul3A_182 : vector<256x512xf32> to vector<1x256x512xf32>
    %reduce_sum3A_184 = arith.constant dense<0.000000e+00> : vector<1xf32>
    %reduce_sum3A_185 = vector.multi_reduction <add>, %reduce_sum3A_183, %reduce_sum3A_184 [1, 2] : vector<1x256x512xf32> to vector<1xf32>
    %reduce_sum3A_186 = vector.shape_cast %reduce_sum3A_185 : vector<1xf32> to vector<1x1x1xf32>
    %reduce_sum3A_187 = vector.extract %reduce_sum3A_186[0, 0, 0] : f32 from vector<1x1x1xf32>
    %get3A_188 = arith.constant 0 : index
    %get3A_189 = arith.constant 2 : index
    %get3A_190 = arith.constant 0 : index
    %get3A_191 = arith.constant 0 : index
    %get3A_192 = vector.load %arg5[%get3A_188, %get3A_189, %get3A_190, %get3A_191] : memref<2x4x1024x256xf32, #tpu.memory_space<vmem>>, vector<1x1x1024x256xf32>
    %get3A_193 = vector.shape_cast %get3A_192 : vector<1x1x1024x256xf32> to vector<1024x256xf32>
    %mul3A_194 = arith.mulf %get3A_193, %get3A_193 : vector<1024x256xf32>
    %reduce_sum3A_195 = arith.constant dense<0.000000e+00> : vector<1024xf32>
    %reduce_sum3A_196 = vector.multi_reduction <add>, %mul3A_194, %reduce_sum3A_195 [1] : vector<1024x256xf32> to vector<1024xf32>
    %broadcast_in_dim3A_197 = vector.shape_cast %reduce_sum3A_196 : vector<1024xf32> to vector<1024x1xf32>
    %get3A_198 = arith.constant 0 : index
    %get3A_199 = arith.constant 2 : index
    %get3A_200 = arith.constant 0 : index
    %get3A_201 = arith.constant 0 : index
    %get3A_202 = vector.load %arg6[%get3A_198, %get3A_199, %get3A_200, %get3A_201] : memref<2x4x1024x256xbf16, #tpu.memory_space<vmem>>, vector<1x1x1024x256xbf16>
    %get3A_203 = vector.shape_cast %get3A_202 : vector<1x1x1024x256xbf16> to vector<1024x256xbf16>
    %convert_element_type3A_204 = arith.truncf %sub3A_181 : vector<256x512xf32> to vector<256x512xbf16>
    %dot_general3A_205 = arith.constant dense<0.000000e+00> : vector<1024x512xf32>
    %dot_general3A_206 = tpu.matmul %get3A_203, %convert_element_type3A_204, %dot_general3A_205 {dimension_numbers = #tpu.dot_dimension_numbers<[1], [0], [0], [1], [0, 0, 1, 1], [], []>, transpose_lhs_hint = false} : vector<1024x256xbf16>, vector<256x512xbf16>, vector<1024x512xf32> -> vector<1024x512xf32>
    %add3A_207 = vector.broadcast %broadcast_in_dim3A_197 : vector<1024x1xf32> to vector<1024x512xf32>
    %add3A_208 = arith.addf %dot_general3A_206, %add3A_207 : vector<1024x512xf32>
    %reduce_min3A_209 = arith.constant dense<0x7F800000> : vector<512xf32>
    %reduce_min3A_210 = vector.multi_reduction <minimumf>, %add3A_208, %reduce_min3A_209 [0] : vector<1024x512xf32> to vector<512xf32>
    %broadcast_in_dim3A_211 = vector.shape_cast %reduce_min3A_210 : vector<512xf32> to vector<1x512xf32>
    %le3A_212 = vector.broadcast %broadcast_in_dim3A_211 : vector<1x512xf32> to vector<1024x512xf32>
    %le3A_213 = arith.cmpf ole, %add3A_208, %le3A_212 : vector<1024x512xf32>
    %jit3A_214 = arith.constant 1024 : i32
    %broadcast_in_dim3A_215 = vector.broadcast %jit3A_214 : i32 to vector<1024x512xi32>
    %select_n3A_216 = arith.select %le3A_213, %iota3A, %broadcast_in_dim3A_215 : vector<1024x512xi1>, vector<1024x512xi32>
    %reduce_min3A_217 = arith.constant dense<2147483647> : vector<512xi32>
    %reduce_min3A_218 = vector.multi_reduction <minsi>, %select_n3A_216, %reduce_min3A_217 [0] : vector<1024x512xi32> to vector<512xi32>
    %broadcast_in_dim3A_219 = vector.shape_cast %reduce_min3A_218 : vector<512xi32> to vector<1x512xi32>
    %eq3A_220 = vector.broadcast %broadcast_in_dim3A_219 : vector<1x512xi32> to vector<1024x512xi32>
    %eq3A_221 = arith.cmpi eq, %iota3A, %eq3A_220 : vector<1024x512xi32>
    %convert_element_type3A_222 = arith.extui %eq3A_221 : vector<1024x512xi1> to vector<1024x512xi32>
    %convert_element_type3A_223 = arith.sitofp %convert_element_type3A_222 : vector<1024x512xi32> to vector<1024x512xf32>
    %convert_element_type3A_224 = arith.truncf %convert_element_type3A_223 : vector<1024x512xf32> to vector<1024x512xbf16>
    %get3A_225 = arith.constant 0 : index
    %get3A_226 = arith.constant 2 : index
    %get3A_227 = arith.constant 0 : index
    %get3A_228 = arith.constant 0 : index
    %get3A_229 = vector.load %arg7[%get3A_225, %get3A_226, %get3A_227, %get3A_228] : memref<2x4x256x1024xbf16, #tpu.memory_space<vmem>>, vector<1x1x256x1024xbf16>
    %get3A_230 = vector.shape_cast %get3A_229 : vector<1x1x256x1024xbf16> to vector<256x1024xbf16>
    %dot_general3A_231 = arith.constant dense<0.000000e+00> : vector<256x512xf32>
    %dot_general3A_232 = tpu.matmul %get3A_230, %convert_element_type3A_224, %dot_general3A_231 {dimension_numbers = #tpu.dot_dimension_numbers<[1], [0], [0], [1], [0, 0, 1, 1], [], []>, transpose_lhs_hint = false} : vector<256x1024xbf16>, vector<1024x512xbf16>, vector<256x512xf32> -> vector<256x512xf32>
    %get3A_233 = arith.constant 0 : index
    %get3A_234 = arith.constant 2 : index
    %get3A_235 = arith.constant 0 : index
    %get3A_236 = arith.constant 0 : index
    %get3A_237 = vector.load %arg8[%get3A_233, %get3A_234, %get3A_235, %get3A_236] : memref<2x4x256x1024xbf16, #tpu.memory_space<vmem>>, vector<1x1x256x1024xbf16>
    %get3A_238 = vector.shape_cast %get3A_237 : vector<1x1x256x1024xbf16> to vector<256x1024xbf16>
    %dot_general3A_239 = arith.constant dense<0.000000e+00> : vector<256x512xf32>
    %dot_general3A_240 = tpu.matmul %get3A_238, %convert_element_type3A_224, %dot_general3A_239 {dimension_numbers = #tpu.dot_dimension_numbers<[1], [0], [0], [1], [0, 0, 1, 1], [], []>, transpose_lhs_hint = false} : vector<256x1024xbf16>, vector<1024x512xbf16>, vector<256x512xf32> -> vector<256x512xf32>
    %mul3A_241 = arith.constant 1.52587891E-5 : f32
    %mul3A_242 = vector.broadcast %mul3A_241 : f32 to vector<256x512xf32>
    %mul3A_243 = arith.mulf %dot_general3A_240, %mul3A_242 : vector<256x512xf32>
    %add3A_244 = arith.addf %dot_general3A_232, %mul3A_243 : vector<256x512xf32>
    %get3A_245 = arith.constant 0 : index
    %get3A_246 = arith.constant 2 : index
    %get3A_247 = arith.constant 0 : index
    %get3A_248 = arith.constant 0 : index
    %get3A_249 = vector.load %arg9[%get3A_245, %get3A_246, %get3A_247, %get3A_248] : memref<2x4x256x1024xbf16, #tpu.memory_space<vmem>>, vector<1x1x256x1024xbf16>
    %get3A_250 = vector.shape_cast %get3A_249 : vector<1x1x256x1024xbf16> to vector<256x1024xbf16>
    %dot_general3A_251 = arith.constant dense<0.000000e+00> : vector<256x512xf32>
    %dot_general3A_252 = tpu.matmul %get3A_250, %convert_element_type3A_224, %dot_general3A_251 {dimension_numbers = #tpu.dot_dimension_numbers<[1], [0], [0], [1], [0, 0, 1, 1], [], []>, transpose_lhs_hint = false} : vector<256x1024xbf16>, vector<1024x512xbf16>, vector<256x512xf32> -> vector<256x512xf32>
    %mul3A_253 = arith.constant 2.32830644E-10 : f32
    %mul3A_254 = vector.broadcast %mul3A_253 : f32 to vector<256x512xf32>
    %mul3A_255 = arith.mulf %dot_general3A_252, %mul3A_254 : vector<256x512xf32>
    %add3A_256 = arith.addf %add3A_244, %mul3A_255 : vector<256x512xf32>
    %sub3A_257 = arith.subf %sub3A_181, %add3A_256 : vector<256x512xf32>
    %mul3A_258 = arith.mulf %sub3A_257, %sub3A_257 : vector<256x512xf32>
    %reduce_sum3A_259 = vector.shape_cast %mul3A_258 : vector<256x512xf32> to vector<1x256x512xf32>
    %reduce_sum3A_260 = arith.constant dense<0.000000e+00> : vector<1xf32>
    %reduce_sum3A_261 = vector.multi_reduction <add>, %reduce_sum3A_259, %reduce_sum3A_260 [1, 2] : vector<1x256x512xf32> to vector<1xf32>
    %reduce_sum3A_262 = vector.shape_cast %reduce_sum3A_261 : vector<1xf32> to vector<1x1x1xf32>
    %reduce_sum3A_263 = vector.extract %reduce_sum3A_262[0, 0, 0] : f32 from vector<1x1x1xf32>
    %get3A_264 = arith.constant 0 : index
    %get3A_265 = arith.constant 3 : index
    %get3A_266 = arith.constant 0 : index
    %get3A_267 = arith.constant 0 : index
    %get3A_268 = vector.load %arg5[%get3A_264, %get3A_265, %get3A_266, %get3A_267] : memref<2x4x1024x256xf32, #tpu.memory_space<vmem>>, vector<1x1x1024x256xf32>
    %get3A_269 = vector.shape_cast %get3A_268 : vector<1x1x1024x256xf32> to vector<1024x256xf32>
    %mul3A_270 = arith.mulf %get3A_269, %get3A_269 : vector<1024x256xf32>
    %reduce_sum3A_271 = arith.constant dense<0.000000e+00> : vector<1024xf32>
    %reduce_sum3A_272 = vector.multi_reduction <add>, %mul3A_270, %reduce_sum3A_271 [1] : vector<1024x256xf32> to vector<1024xf32>
    %broadcast_in_dim3A_273 = vector.shape_cast %reduce_sum3A_272 : vector<1024xf32> to vector<1024x1xf32>
    %get3A_274 = arith.constant 0 : index
    %get3A_275 = arith.constant 3 : index
    %get3A_276 = arith.constant 0 : index
    %get3A_277 = arith.constant 0 : index
    %get3A_278 = vector.load %arg6[%get3A_274, %get3A_275, %get3A_276, %get3A_277] : memref<2x4x1024x256xbf16, #tpu.memory_space<vmem>>, vector<1x1x1024x256xbf16>
    %get3A_279 = vector.shape_cast %get3A_278 : vector<1x1x1024x256xbf16> to vector<1024x256xbf16>
    %convert_element_type3A_280 = arith.truncf %sub3A_257 : vector<256x512xf32> to vector<256x512xbf16>
    %dot_general3A_281 = arith.constant dense<0.000000e+00> : vector<1024x512xf32>
    %dot_general3A_282 = tpu.matmul %get3A_279, %convert_element_type3A_280, %dot_general3A_281 {dimension_numbers = #tpu.dot_dimension_numbers<[1], [0], [0], [1], [0, 0, 1, 1], [], []>, transpose_lhs_hint = false} : vector<1024x256xbf16>, vector<256x512xbf16>, vector<1024x512xf32> -> vector<1024x512xf32>
    %add3A_283 = vector.broadcast %broadcast_in_dim3A_273 : vector<1024x1xf32> to vector<1024x512xf32>
    %add3A_284 = arith.addf %dot_general3A_282, %add3A_283 : vector<1024x512xf32>
    %reduce_min3A_285 = arith.constant dense<0x7F800000> : vector<512xf32>
    %reduce_min3A_286 = vector.multi_reduction <minimumf>, %add3A_284, %reduce_min3A_285 [0] : vector<1024x512xf32> to vector<512xf32>
    %broadcast_in_dim3A_287 = vector.shape_cast %reduce_min3A_286 : vector<512xf32> to vector<1x512xf32>
    %le3A_288 = vector.broadcast %broadcast_in_dim3A_287 : vector<1x512xf32> to vector<1024x512xf32>
    %le3A_289 = arith.cmpf ole, %add3A_284, %le3A_288 : vector<1024x512xf32>
    %jit3A_290 = arith.constant 1024 : i32
    %broadcast_in_dim3A_291 = vector.broadcast %jit3A_290 : i32 to vector<1024x512xi32>
    %select_n3A_292 = arith.select %le3A_289, %iota3A, %broadcast_in_dim3A_291 : vector<1024x512xi1>, vector<1024x512xi32>
    %reduce_min3A_293 = arith.constant dense<2147483647> : vector<512xi32>
    %reduce_min3A_294 = vector.multi_reduction <minsi>, %select_n3A_292, %reduce_min3A_293 [0] : vector<1024x512xi32> to vector<512xi32>
    %broadcast_in_dim3A_295 = vector.shape_cast %reduce_min3A_294 : vector<512xi32> to vector<1x512xi32>
    %eq3A_296 = vector.broadcast %broadcast_in_dim3A_295 : vector<1x512xi32> to vector<1024x512xi32>
    %eq3A_297 = arith.cmpi eq, %iota3A, %eq3A_296 : vector<1024x512xi32>
    %convert_element_type3A_298 = arith.extui %eq3A_297 : vector<1024x512xi1> to vector<1024x512xi32>
    %convert_element_type3A_299 = arith.sitofp %convert_element_type3A_298 : vector<1024x512xi32> to vector<1024x512xf32>
    %convert_element_type3A_300 = arith.truncf %convert_element_type3A_299 : vector<1024x512xf32> to vector<1024x512xbf16>
    %get3A_301 = arith.constant 0 : index
    %get3A_302 = arith.constant 3 : index
    %get3A_303 = arith.constant 0 : index
    %get3A_304 = arith.constant 0 : index
    %get3A_305 = vector.load %arg7[%get3A_301, %get3A_302, %get3A_303, %get3A_304] : memref<2x4x256x1024xbf16, #tpu.memory_space<vmem>>, vector<1x1x256x1024xbf16>
    %get3A_306 = vector.shape_cast %get3A_305 : vector<1x1x256x1024xbf16> to vector<256x1024xbf16>
    %dot_general3A_307 = arith.constant dense<0.000000e+00> : vector<256x512xf32>
    %dot_general3A_308 = tpu.matmul %get3A_306, %convert_element_type3A_300, %dot_general3A_307 {dimension_numbers = #tpu.dot_dimension_numbers<[1], [0], [0], [1], [0, 0, 1, 1], [], []>, transpose_lhs_hint = false} : vector<256x1024xbf16>, vector<1024x512xbf16>, vector<256x512xf32> -> vector<256x512xf32>
    %get3A_309 = arith.constant 0 : index
    %get3A_310 = arith.constant 3 : index
    %get3A_311 = arith.constant 0 : index
    %get3A_312 = arith.constant 0 : index
    %get3A_313 = vector.load %arg8[%get3A_309, %get3A_310, %get3A_311, %get3A_312] : memref<2x4x256x1024xbf16, #tpu.memory_space<vmem>>, vector<1x1x256x1024xbf16>
    %get3A_314 = vector.shape_cast %get3A_313 : vector<1x1x256x1024xbf16> to vector<256x1024xbf16>
    %dot_general3A_315 = arith.constant dense<0.000000e+00> : vector<256x512xf32>
    %dot_general3A_316 = tpu.matmul %get3A_314, %convert_element_type3A_300, %dot_general3A_315 {dimension_numbers = #tpu.dot_dimension_numbers<[1], [0], [0], [1], [0, 0, 1, 1], [], []>, transpose_lhs_hint = false} : vector<256x1024xbf16>, vector<1024x512xbf16>, vector<256x512xf32> -> vector<256x512xf32>
    %mul3A_317 = arith.constant 1.52587891E-5 : f32
    %mul3A_318 = vector.broadcast %mul3A_317 : f32 to vector<256x512xf32>
    %mul3A_319 = arith.mulf %dot_general3A_316, %mul3A_318 : vector<256x512xf32>
    %add3A_320 = arith.addf %dot_general3A_308, %mul3A_319 : vector<256x512xf32>
    %get3A_321 = arith.constant 0 : index
    %get3A_322 = arith.constant 3 : index
    %get3A_323 = arith.constant 0 : index
    %get3A_324 = arith.constant 0 : index
    %get3A_325 = vector.load %arg9[%get3A_321, %get3A_322, %get3A_323, %get3A_324] : memref<2x4x256x1024xbf16, #tpu.memory_space<vmem>>, vector<1x1x256x1024xbf16>
    %get3A_326 = vector.shape_cast %get3A_325 : vector<1x1x256x1024xbf16> to vector<256x1024xbf16>
    %dot_general3A_327 = arith.constant dense<0.000000e+00> : vector<256x512xf32>
    %dot_general3A_328 = tpu.matmul %get3A_326, %convert_element_type3A_300, %dot_general3A_327 {dimension_numbers = #tpu.dot_dimension_numbers<[1], [0], [0], [1], [0, 0, 1, 1], [], []>, transpose_lhs_hint = false} : vector<256x1024xbf16>, vector<1024x512xbf16>, vector<256x512xf32> -> vector<256x512xf32>
    %mul3A_329 = arith.constant 2.32830644E-10 : f32
    %mul3A_330 = vector.broadcast %mul3A_329 : f32 to vector<256x512xf32>
    %mul3A_331 = arith.mulf %dot_general3A_328, %mul3A_330 : vector<256x512xf32>
    %add3A_332 = arith.addf %add3A_320, %mul3A_331 : vector<256x512xf32>
    %sub3A_333 = arith.subf %sub3A_257, %add3A_332 : vector<256x512xf32>
    %mul3A_334 = arith.mulf %sub3A_333, %sub3A_333 : vector<256x512xf32>
    %reduce_sum3A_335 = vector.shape_cast %mul3A_334 : vector<256x512xf32> to vector<1x256x512xf32>
    %reduce_sum3A_336 = arith.constant dense<0.000000e+00> : vector<1xf32>
    %reduce_sum3A_337 = vector.multi_reduction <add>, %reduce_sum3A_335, %reduce_sum3A_336 [1, 2] : vector<1x256x512xf32> to vector<1xf32>
    %reduce_sum3A_338 = vector.shape_cast %reduce_sum3A_337 : vector<1xf32> to vector<1x1x1xf32>
    %reduce_sum3A_339 = vector.extract %reduce_sum3A_338[0, 0, 0] : f32 from vector<1x1x1xf32>
    %sub3A_340 = arith.subf %slice3A_43, %sub3A_333 : vector<256x512xf32>
    %slice3A_341 = vector.extract_strided_slice %add3A_42 {offsets = [256, 0], sizes = [256, 512], strides = [1, 1]} : vector<512x512xf32> to vector<256x512xf32>
    %get3A_342 = arith.constant 1 : index
    %get3A_343 = arith.constant 0 : index
    %get3A_344 = arith.constant 0 : index
    %get3A_345 = arith.constant 0 : index
    %get3A_346 = vector.load %arg5[%get3A_342, %get3A_343, %get3A_344, %get3A_345] : memref<2x4x1024x256xf32, #tpu.memory_space<vmem>>, vector<1x1x1024x256xf32>
    %get3A_347 = vector.shape_cast %get3A_346 : vector<1x1x1024x256xf32> to vector<1024x256xf32>
    %mul3A_348 = arith.mulf %get3A_347, %get3A_347 : vector<1024x256xf32>
    %reduce_sum3A_349 = arith.constant dense<0.000000e+00> : vector<1024xf32>
    %reduce_sum3A_350 = vector.multi_reduction <add>, %mul3A_348, %reduce_sum3A_349 [1] : vector<1024x256xf32> to vector<1024xf32>
    %broadcast_in_dim3A_351 = vector.shape_cast %reduce_sum3A_350 : vector<1024xf32> to vector<1024x1xf32>
    %get3A_352 = arith.constant 1 : index
    %get3A_353 = arith.constant 0 : index
    %get3A_354 = arith.constant 0 : index
    %get3A_355 = arith.constant 0 : index
    %get3A_356 = vector.load %arg6[%get3A_352, %get3A_353, %get3A_354, %get3A_355] : memref<2x4x1024x256xbf16, #tpu.memory_space<vmem>>, vector<1x1x1024x256xbf16>
    %get3A_357 = vector.shape_cast %get3A_356 : vector<1x1x1024x256xbf16> to vector<1024x256xbf16>
    %convert_element_type3A_358 = arith.truncf %slice3A_341 : vector<256x512xf32> to vector<256x512xbf16>
    %dot_general3A_359 = arith.constant dense<0.000000e+00> : vector<1024x512xf32>
    %dot_general3A_360 = tpu.matmul %get3A_357, %convert_element_type3A_358, %dot_general3A_359 {dimension_numbers = #tpu.dot_dimension_numbers<[1], [0], [0], [1], [0, 0, 1, 1], [], []>, transpose_lhs_hint = false} : vector<1024x256xbf16>, vector<256x512xbf16>, vector<1024x512xf32> -> vector<1024x512xf32>
    %add3A_361 = vector.broadcast %broadcast_in_dim3A_351 : vector<1024x1xf32> to vector<1024x512xf32>
    %add3A_362 = arith.addf %dot_general3A_360, %add3A_361 : vector<1024x512xf32>
    %reduce_min3A_363 = arith.constant dense<0x7F800000> : vector<512xf32>
    %reduce_min3A_364 = vector.multi_reduction <minimumf>, %add3A_362, %reduce_min3A_363 [0] : vector<1024x512xf32> to vector<512xf32>
    %broadcast_in_dim3A_365 = vector.shape_cast %reduce_min3A_364 : vector<512xf32> to vector<1x512xf32>
    %le3A_366 = vector.broadcast %broadcast_in_dim3A_365 : vector<1x512xf32> to vector<1024x512xf32>
    %le3A_367 = arith.cmpf ole, %add3A_362, %le3A_366 : vector<1024x512xf32>
    %jit3A_368 = arith.constant 1024 : i32
    %broadcast_in_dim3A_369 = vector.broadcast %jit3A_368 : i32 to vector<1024x512xi32>
    %select_n3A_370 = arith.select %le3A_367, %iota3A, %broadcast_in_dim3A_369 : vector<1024x512xi1>, vector<1024x512xi32>
    %reduce_min3A_371 = arith.constant dense<2147483647> : vector<512xi32>
    %reduce_min3A_372 = vector.multi_reduction <minsi>, %select_n3A_370, %reduce_min3A_371 [0] : vector<1024x512xi32> to vector<512xi32>
    %broadcast_in_dim3A_373 = vector.shape_cast %reduce_min3A_372 : vector<512xi32> to vector<1x512xi32>
    %eq3A_374 = vector.broadcast %broadcast_in_dim3A_373 : vector<1x512xi32> to vector<1024x512xi32>
    %eq3A_375 = arith.cmpi eq, %iota3A, %eq3A_374 : vector<1024x512xi32>
    %convert_element_type3A_376 = arith.extui %eq3A_375 : vector<1024x512xi1> to vector<1024x512xi32>
    %convert_element_type3A_377 = arith.sitofp %convert_element_type3A_376 : vector<1024x512xi32> to vector<1024x512xf32>
    %convert_element_type3A_378 = arith.truncf %convert_element_type3A_377 : vector<1024x512xf32> to vector<1024x512xbf16>
    %get3A_379 = arith.constant 1 : index
    %get3A_380 = arith.constant 0 : index
    %get3A_381 = arith.constant 0 : index
    %get3A_382 = arith.constant 0 : index
    %get3A_383 = vector.load %arg7[%get3A_379, %get3A_380, %get3A_381, %get3A_382] : memref<2x4x256x1024xbf16, #tpu.memory_space<vmem>>, vector<1x1x256x1024xbf16>
    %get3A_384 = vector.shape_cast %get3A_383 : vector<1x1x256x1024xbf16> to vector<256x1024xbf16>
    %dot_general3A_385 = arith.constant dense<0.000000e+00> : vector<256x512xf32>
    %dot_general3A_386 = tpu.matmul %get3A_384, %convert_element_type3A_378, %dot_general3A_385 {dimension_numbers = #tpu.dot_dimension_numbers<[1], [0], [0], [1], [0, 0, 1, 1], [], []>, transpose_lhs_hint = false} : vector<256x1024xbf16>, vector<1024x512xbf16>, vector<256x512xf32> -> vector<256x512xf32>
    %get3A_387 = arith.constant 1 : index
    %get3A_388 = arith.constant 0 : index
    %get3A_389 = arith.constant 0 : index
    %get3A_390 = arith.constant 0 : index
    %get3A_391 = vector.load %arg8[%get3A_387, %get3A_388, %get3A_389, %get3A_390] : memref<2x4x256x1024xbf16, #tpu.memory_space<vmem>>, vector<1x1x256x1024xbf16>
    %get3A_392 = vector.shape_cast %get3A_391 : vector<1x1x256x1024xbf16> to vector<256x1024xbf16>
    %dot_general3A_393 = arith.constant dense<0.000000e+00> : vector<256x512xf32>
    %dot_general3A_394 = tpu.matmul %get3A_392, %convert_element_type3A_378, %dot_general3A_393 {dimension_numbers = #tpu.dot_dimension_numbers<[1], [0], [0], [1], [0, 0, 1, 1], [], []>, transpose_lhs_hint = false} : vector<256x1024xbf16>, vector<1024x512xbf16>, vector<256x512xf32> -> vector<256x512xf32>
    %mul3A_395 = arith.constant 1.52587891E-5 : f32
    %mul3A_396 = vector.broadcast %mul3A_395 : f32 to vector<256x512xf32>
    %mul3A_397 = arith.mulf %dot_general3A_394, %mul3A_396 : vector<256x512xf32>
    %add3A_398 = arith.addf %dot_general3A_386, %mul3A_397 : vector<256x512xf32>
    %get3A_399 = arith.constant 1 : index
    %get3A_400 = arith.constant 0 : index
    %get3A_401 = arith.constant 0 : index
    %get3A_402 = arith.constant 0 : index
    %get3A_403 = vector.load %arg9[%get3A_399, %get3A_400, %get3A_401, %get3A_402] : memref<2x4x256x1024xbf16, #tpu.memory_space<vmem>>, vector<1x1x256x1024xbf16>
    %get3A_404 = vector.shape_cast %get3A_403 : vector<1x1x256x1024xbf16> to vector<256x1024xbf16>
    %dot_general3A_405 = arith.constant dense<0.000000e+00> : vector<256x512xf32>
    %dot_general3A_406 = tpu.matmul %get3A_404, %convert_element_type3A_378, %dot_general3A_405 {dimension_numbers = #tpu.dot_dimension_numbers<[1], [0], [0], [1], [0, 0, 1, 1], [], []>, transpose_lhs_hint = false} : vector<256x1024xbf16>, vector<1024x512xbf16>, vector<256x512xf32> -> vector<256x512xf32>
    %mul3A_407 = arith.constant 2.32830644E-10 : f32
    %mul3A_408 = vector.broadcast %mul3A_407 : f32 to vector<256x512xf32>
    %mul3A_409 = arith.mulf %dot_general3A_406, %mul3A_408 : vector<256x512xf32>
    %add3A_410 = arith.addf %add3A_398, %mul3A_409 : vector<256x512xf32>
    %sub3A_411 = arith.subf %slice3A_341, %add3A_410 : vector<256x512xf32>
    %mul3A_412 = arith.mulf %sub3A_411, %sub3A_411 : vector<256x512xf32>
    %reduce_sum3A_413 = vector.shape_cast %mul3A_412 : vector<256x512xf32> to vector<1x256x512xf32>
    %reduce_sum3A_414 = arith.constant dense<0.000000e+00> : vector<1xf32>
    %reduce_sum3A_415 = vector.multi_reduction <add>, %reduce_sum3A_413, %reduce_sum3A_414 [1, 2] : vector<1x256x512xf32> to vector<1xf32>
    %reduce_sum3A_416 = vector.shape_cast %reduce_sum3A_415 : vector<1xf32> to vector<1x1x1xf32>
    %reduce_sum3A_417 = vector.extract %reduce_sum3A_416[0, 0, 0] : f32 from vector<1x1x1xf32>
    %get3A_418 = arith.constant 1 : index
    %get3A_419 = arith.constant 1 : index
    %get3A_420 = arith.constant 0 : index
    %get3A_421 = arith.constant 0 : index
    %get3A_422 = vector.load %arg5[%get3A_418, %get3A_419, %get3A_420, %get3A_421] : memref<2x4x1024x256xf32, #tpu.memory_space<vmem>>, vector<1x1x1024x256xf32>
    %get3A_423 = vector.shape_cast %get3A_422 : vector<1x1x1024x256xf32> to vector<1024x256xf32>
    %mul3A_424 = arith.mulf %get3A_423, %get3A_423 : vector<1024x256xf32>
    %reduce_sum3A_425 = arith.constant dense<0.000000e+00> : vector<1024xf32>
    %reduce_sum3A_426 = vector.multi_reduction <add>, %mul3A_424, %reduce_sum3A_425 [1] : vector<1024x256xf32> to vector<1024xf32>
    %broadcast_in_dim3A_427 = vector.shape_cast %reduce_sum3A_426 : vector<1024xf32> to vector<1024x1xf32>
    %get3A_428 = arith.constant 1 : index
    %get3A_429 = arith.constant 1 : index
    %get3A_430 = arith.constant 0 : index
    %get3A_431 = arith.constant 0 : index
    %get3A_432 = vector.load %arg6[%get3A_428, %get3A_429, %get3A_430, %get3A_431] : memref<2x4x1024x256xbf16, #tpu.memory_space<vmem>>, vector<1x1x1024x256xbf16>
    %get3A_433 = vector.shape_cast %get3A_432 : vector<1x1x1024x256xbf16> to vector<1024x256xbf16>
    %convert_element_type3A_434 = arith.truncf %sub3A_411 : vector<256x512xf32> to vector<256x512xbf16>
    %dot_general3A_435 = arith.constant dense<0.000000e+00> : vector<1024x512xf32>
    %dot_general3A_436 = tpu.matmul %get3A_433, %convert_element_type3A_434, %dot_general3A_435 {dimension_numbers = #tpu.dot_dimension_numbers<[1], [0], [0], [1], [0, 0, 1, 1], [], []>, transpose_lhs_hint = false} : vector<1024x256xbf16>, vector<256x512xbf16>, vector<1024x512xf32> -> vector<1024x512xf32>
    %add3A_437 = vector.broadcast %broadcast_in_dim3A_427 : vector<1024x1xf32> to vector<1024x512xf32>
    %add3A_438 = arith.addf %dot_general3A_436, %add3A_437 : vector<1024x512xf32>
    %reduce_min3A_439 = arith.constant dense<0x7F800000> : vector<512xf32>
    %reduce_min3A_440 = vector.multi_reduction <minimumf>, %add3A_438, %reduce_min3A_439 [0] : vector<1024x512xf32> to vector<512xf32>
    %broadcast_in_dim3A_441 = vector.shape_cast %reduce_min3A_440 : vector<512xf32> to vector<1x512xf32>
    %le3A_442 = vector.broadcast %broadcast_in_dim3A_441 : vector<1x512xf32> to vector<1024x512xf32>
    %le3A_443 = arith.cmpf ole, %add3A_438, %le3A_442 : vector<1024x512xf32>
    %jit3A_444 = arith.constant 1024 : i32
    %broadcast_in_dim3A_445 = vector.broadcast %jit3A_444 : i32 to vector<1024x512xi32>
    %select_n3A_446 = arith.select %le3A_443, %iota3A, %broadcast_in_dim3A_445 : vector<1024x512xi1>, vector<1024x512xi32>
    %reduce_min3A_447 = arith.constant dense<2147483647> : vector<512xi32>
    %reduce_min3A_448 = vector.multi_reduction <minsi>, %select_n3A_446, %reduce_min3A_447 [0] : vector<1024x512xi32> to vector<512xi32>
    %broadcast_in_dim3A_449 = vector.shape_cast %reduce_min3A_448 : vector<512xi32> to vector<1x512xi32>
    %eq3A_450 = vector.broadcast %broadcast_in_dim3A_449 : vector<1x512xi32> to vector<1024x512xi32>
    %eq3A_451 = arith.cmpi eq, %iota3A, %eq3A_450 : vector<1024x512xi32>
    %convert_element_type3A_452 = arith.extui %eq3A_451 : vector<1024x512xi1> to vector<1024x512xi32>
    %convert_element_type3A_453 = arith.sitofp %convert_element_type3A_452 : vector<1024x512xi32> to vector<1024x512xf32>
    %convert_element_type3A_454 = arith.truncf %convert_element_type3A_453 : vector<1024x512xf32> to vector<1024x512xbf16>
    %get3A_455 = arith.constant 1 : index
    %get3A_456 = arith.constant 1 : index
    %get3A_457 = arith.constant 0 : index
    %get3A_458 = arith.constant 0 : index
    %get3A_459 = vector.load %arg7[%get3A_455, %get3A_456, %get3A_457, %get3A_458] : memref<2x4x256x1024xbf16, #tpu.memory_space<vmem>>, vector<1x1x256x1024xbf16>
    %get3A_460 = vector.shape_cast %get3A_459 : vector<1x1x256x1024xbf16> to vector<256x1024xbf16>
    %dot_general3A_461 = arith.constant dense<0.000000e+00> : vector<256x512xf32>
    %dot_general3A_462 = tpu.matmul %get3A_460, %convert_element_type3A_454, %dot_general3A_461 {dimension_numbers = #tpu.dot_dimension_numbers<[1], [0], [0], [1], [0, 0, 1, 1], [], []>, transpose_lhs_hint = false} : vector<256x1024xbf16>, vector<1024x512xbf16>, vector<256x512xf32> -> vector<256x512xf32>
    %get3A_463 = arith.constant 1 : index
    %get3A_464 = arith.constant 1 : index
    %get3A_465 = arith.constant 0 : index
    %get3A_466 = arith.constant 0 : index
    %get3A_467 = vector.load %arg8[%get3A_463, %get3A_464, %get3A_465, %get3A_466] : memref<2x4x256x1024xbf16, #tpu.memory_space<vmem>>, vector<1x1x256x1024xbf16>
    %get3A_468 = vector.shape_cast %get3A_467 : vector<1x1x256x1024xbf16> to vector<256x1024xbf16>
    %dot_general3A_469 = arith.constant dense<0.000000e+00> : vector<256x512xf32>
    %dot_general3A_470 = tpu.matmul %get3A_468, %convert_element_type3A_454, %dot_general3A_469 {dimension_numbers = #tpu.dot_dimension_numbers<[1], [0], [0], [1], [0, 0, 1, 1], [], []>, transpose_lhs_hint = false} : vector<256x1024xbf16>, vector<1024x512xbf16>, vector<256x512xf32> -> vector<256x512xf32>
    %mul3A_471 = arith.constant 1.52587891E-5 : f32
    %mul3A_472 = vector.broadcast %mul3A_471 : f32 to vector<256x512xf32>
    %mul3A_473 = arith.mulf %dot_general3A_470, %mul3A_472 : vector<256x512xf32>
    %add3A_474 = arith.addf %dot_general3A_462, %mul3A_473 : vector<256x512xf32>
    %get3A_475 = arith.constant 1 : index
    %get3A_476 = arith.constant 1 : index
    %get3A_477 = arith.constant 0 : index
    %get3A_478 = arith.constant 0 : index
    %get3A_479 = vector.load %arg9[%get3A_475, %get3A_476, %get3A_477, %get3A_478] : memref<2x4x256x1024xbf16, #tpu.memory_space<vmem>>, vector<1x1x256x1024xbf16>
    %get3A_480 = vector.shape_cast %get3A_479 : vector<1x1x256x1024xbf16> to vector<256x1024xbf16>
    %dot_general3A_481 = arith.constant dense<0.000000e+00> : vector<256x512xf32>
    %dot_general3A_482 = tpu.matmul %get3A_480, %convert_element_type3A_454, %dot_general3A_481 {dimension_numbers = #tpu.dot_dimension_numbers<[1], [0], [0], [1], [0, 0, 1, 1], [], []>, transpose_lhs_hint = false} : vector<256x1024xbf16>, vector<1024x512xbf16>, vector<256x512xf32> -> vector<256x512xf32>
    %mul3A_483 = arith.constant 2.32830644E-10 : f32
    %mul3A_484 = vector.broadcast %mul3A_483 : f32 to vector<256x512xf32>
    %mul3A_485 = arith.mulf %dot_general3A_482, %mul3A_484 : vector<256x512xf32>
    %add3A_486 = arith.addf %add3A_474, %mul3A_485 : vector<256x512xf32>
    %sub3A_487 = arith.subf %sub3A_411, %add3A_486 : vector<256x512xf32>
    %mul3A_488 = arith.mulf %sub3A_487, %sub3A_487 : vector<256x512xf32>
    %reduce_sum3A_489 = vector.shape_cast %mul3A_488 : vector<256x512xf32> to vector<1x256x512xf32>
    %reduce_sum3A_490 = arith.constant dense<0.000000e+00> : vector<1xf32>
    %reduce_sum3A_491 = vector.multi_reduction <add>, %reduce_sum3A_489, %reduce_sum3A_490 [1, 2] : vector<1x256x512xf32> to vector<1xf32>
    %reduce_sum3A_492 = vector.shape_cast %reduce_sum3A_491 : vector<1xf32> to vector<1x1x1xf32>
    %reduce_sum3A_493 = vector.extract %reduce_sum3A_492[0, 0, 0] : f32 from vector<1x1x1xf32>
    %get3A_494 = arith.constant 1 : index
    %get3A_495 = arith.constant 2 : index
    %get3A_496 = arith.constant 0 : index
    %get3A_497 = arith.constant 0 : index
    %get3A_498 = vector.load %arg5[%get3A_494, %get3A_495, %get3A_496, %get3A_497] : memref<2x4x1024x256xf32, #tpu.memory_space<vmem>>, vector<1x1x1024x256xf32>
    %get3A_499 = vector.shape_cast %get3A_498 : vector<1x1x1024x256xf32> to vector<1024x256xf32>
    %mul3A_500 = arith.mulf %get3A_499, %get3A_499 : vector<1024x256xf32>
    %reduce_sum3A_501 = arith.constant dense<0.000000e+00> : vector<1024xf32>
    %reduce_sum3A_502 = vector.multi_reduction <add>, %mul3A_500, %reduce_sum3A_501 [1] : vector<1024x256xf32> to vector<1024xf32>
    %broadcast_in_dim3A_503 = vector.shape_cast %reduce_sum3A_502 : vector<1024xf32> to vector<1024x1xf32>
    %get3A_504 = arith.constant 1 : index
    %get3A_505 = arith.constant 2 : index
    %get3A_506 = arith.constant 0 : index
    %get3A_507 = arith.constant 0 : index
    %get3A_508 = vector.load %arg6[%get3A_504, %get3A_505, %get3A_506, %get3A_507] : memref<2x4x1024x256xbf16, #tpu.memory_space<vmem>>, vector<1x1x1024x256xbf16>
    %get3A_509 = vector.shape_cast %get3A_508 : vector<1x1x1024x256xbf16> to vector<1024x256xbf16>
    %convert_element_type3A_510 = arith.truncf %sub3A_487 : vector<256x512xf32> to vector<256x512xbf16>
    %dot_general3A_511 = arith.constant dense<0.000000e+00> : vector<1024x512xf32>
    %dot_general3A_512 = tpu.matmul %get3A_509, %convert_element_type3A_510, %dot_general3A_511 {dimension_numbers = #tpu.dot_dimension_numbers<[1], [0], [0], [1], [0, 0, 1, 1], [], []>, transpose_lhs_hint = false} : vector<1024x256xbf16>, vector<256x512xbf16>, vector<1024x512xf32> -> vector<1024x512xf32>
    %add3A_513 = vector.broadcast %broadcast_in_dim3A_503 : vector<1024x1xf32> to vector<1024x512xf32>
    %add3A_514 = arith.addf %dot_general3A_512, %add3A_513 : vector<1024x512xf32>
    %reduce_min3A_515 = arith.constant dense<0x7F800000> : vector<512xf32>
    %reduce_min3A_516 = vector.multi_reduction <minimumf>, %add3A_514, %reduce_min3A_515 [0] : vector<1024x512xf32> to vector<512xf32>
    %broadcast_in_dim3A_517 = vector.shape_cast %reduce_min3A_516 : vector<512xf32> to vector<1x512xf32>
    %le3A_518 = vector.broadcast %broadcast_in_dim3A_517 : vector<1x512xf32> to vector<1024x512xf32>
    %le3A_519 = arith.cmpf ole, %add3A_514, %le3A_518 : vector<1024x512xf32>
    %jit3A_520 = arith.constant 1024 : i32
    %broadcast_in_dim3A_521 = vector.broadcast %jit3A_520 : i32 to vector<1024x512xi32>
    %select_n3A_522 = arith.select %le3A_519, %iota3A, %broadcast_in_dim3A_521 : vector<1024x512xi1>, vector<1024x512xi32>
    %reduce_min3A_523 = arith.constant dense<2147483647> : vector<512xi32>
    %reduce_min3A_524 = vector.multi_reduction <minsi>, %select_n3A_522, %reduce_min3A_523 [0] : vector<1024x512xi32> to vector<512xi32>
    %broadcast_in_dim3A_525 = vector.shape_cast %reduce_min3A_524 : vector<512xi32> to vector<1x512xi32>
    %eq3A_526 = vector.broadcast %broadcast_in_dim3A_525 : vector<1x512xi32> to vector<1024x512xi32>
    %eq3A_527 = arith.cmpi eq, %iota3A, %eq3A_526 : vector<1024x512xi32>
    %convert_element_type3A_528 = arith.extui %eq3A_527 : vector<1024x512xi1> to vector<1024x512xi32>
    %convert_element_type3A_529 = arith.sitofp %convert_element_type3A_528 : vector<1024x512xi32> to vector<1024x512xf32>
    %convert_element_type3A_530 = arith.truncf %convert_element_type3A_529 : vector<1024x512xf32> to vector<1024x512xbf16>
    %get3A_531 = arith.constant 1 : index
    %get3A_532 = arith.constant 2 : index
    %get3A_533 = arith.constant 0 : index
    %get3A_534 = arith.constant 0 : index
    %get3A_535 = vector.load %arg7[%get3A_531, %get3A_532, %get3A_533, %get3A_534] : memref<2x4x256x1024xbf16, #tpu.memory_space<vmem>>, vector<1x1x256x1024xbf16>
    %get3A_536 = vector.shape_cast %get3A_535 : vector<1x1x256x1024xbf16> to vector<256x1024xbf16>
    %dot_general3A_537 = arith.constant dense<0.000000e+00> : vector<256x512xf32>
    %dot_general3A_538 = tpu.matmul %get3A_536, %convert_element_type3A_530, %dot_general3A_537 {dimension_numbers = #tpu.dot_dimension_numbers<[1], [0], [0], [1], [0, 0, 1, 1], [], []>, transpose_lhs_hint = false} : vector<256x1024xbf16>, vector<1024x512xbf16>, vector<256x512xf32> -> vector<256x512xf32>
    %get3A_539 = arith.constant 1 : index
    %get3A_540 = arith.constant 2 : index
    %get3A_541 = arith.constant 0 : index
    %get3A_542 = arith.constant 0 : index
    %get3A_543 = vector.load %arg8[%get3A_539, %get3A_540, %get3A_541, %get3A_542] : memref<2x4x256x1024xbf16, #tpu.memory_space<vmem>>, vector<1x1x256x1024xbf16>
    %get3A_544 = vector.shape_cast %get3A_543 : vector<1x1x256x1024xbf16> to vector<256x1024xbf16>
    %dot_general3A_545 = arith.constant dense<0.000000e+00> : vector<256x512xf32>
    %dot_general3A_546 = tpu.matmul %get3A_544, %convert_element_type3A_530, %dot_general3A_545 {dimension_numbers = #tpu.dot_dimension_numbers<[1], [0], [0], [1], [0, 0, 1, 1], [], []>, transpose_lhs_hint = false} : vector<256x1024xbf16>, vector<1024x512xbf16>, vector<256x512xf32> -> vector<256x512xf32>
    %mul3A_547 = arith.constant 1.52587891E-5 : f32
    %mul3A_548 = vector.broadcast %mul3A_547 : f32 to vector<256x512xf32>
    %mul3A_549 = arith.mulf %dot_general3A_546, %mul3A_548 : vector<256x512xf32>
    %add3A_550 = arith.addf %dot_general3A_538, %mul3A_549 : vector<256x512xf32>
    %get3A_551 = arith.constant 1 : index
    %get3A_552 = arith.constant 2 : index
    %get3A_553 = arith.constant 0 : index
    %get3A_554 = arith.constant 0 : index
    %get3A_555 = vector.load %arg9[%get3A_551, %get3A_552, %get3A_553, %get3A_554] : memref<2x4x256x1024xbf16, #tpu.memory_space<vmem>>, vector<1x1x256x1024xbf16>
    %get3A_556 = vector.shape_cast %get3A_555 : vector<1x1x256x1024xbf16> to vector<256x1024xbf16>
    %dot_general3A_557 = arith.constant dense<0.000000e+00> : vector<256x512xf32>
    %dot_general3A_558 = tpu.matmul %get3A_556, %convert_element_type3A_530, %dot_general3A_557 {dimension_numbers = #tpu.dot_dimension_numbers<[1], [0], [0], [1], [0, 0, 1, 1], [], []>, transpose_lhs_hint = false} : vector<256x1024xbf16>, vector<1024x512xbf16>, vector<256x512xf32> -> vector<256x512xf32>
    %mul3A_559 = arith.constant 2.32830644E-10 : f32
    %mul3A_560 = vector.broadcast %mul3A_559 : f32 to vector<256x512xf32>
    %mul3A_561 = arith.mulf %dot_general3A_558, %mul3A_560 : vector<256x512xf32>
    %add3A_562 = arith.addf %add3A_550, %mul3A_561 : vector<256x512xf32>
    %sub3A_563 = arith.subf %sub3A_487, %add3A_562 : vector<256x512xf32>
    %mul3A_564 = arith.mulf %sub3A_563, %sub3A_563 : vector<256x512xf32>
    %reduce_sum3A_565 = vector.shape_cast %mul3A_564 : vector<256x512xf32> to vector<1x256x512xf32>
    %reduce_sum3A_566 = arith.constant dense<0.000000e+00> : vector<1xf32>
    %reduce_sum3A_567 = vector.multi_reduction <add>, %reduce_sum3A_565, %reduce_sum3A_566 [1, 2] : vector<1x256x512xf32> to vector<1xf32>
    %reduce_sum3A_568 = vector.shape_cast %reduce_sum3A_567 : vector<1xf32> to vector<1x1x1xf32>
    %reduce_sum3A_569 = vector.extract %reduce_sum3A_568[0, 0, 0] : f32 from vector<1x1x1xf32>
    %get3A_570 = arith.constant 1 : index
    %get3A_571 = arith.constant 3 : index
    %get3A_572 = arith.constant 0 : index
    %get3A_573 = arith.constant 0 : index
    %get3A_574 = vector.load %arg5[%get3A_570, %get3A_571, %get3A_572, %get3A_573] : memref<2x4x1024x256xf32, #tpu.memory_space<vmem>>, vector<1x1x1024x256xf32>
    %get3A_575 = vector.shape_cast %get3A_574 : vector<1x1x1024x256xf32> to vector<1024x256xf32>
    %mul3A_576 = arith.mulf %get3A_575, %get3A_575 : vector<1024x256xf32>
    %reduce_sum3A_577 = arith.constant dense<0.000000e+00> : vector<1024xf32>
    %reduce_sum3A_578 = vector.multi_reduction <add>, %mul3A_576, %reduce_sum3A_577 [1] : vector<1024x256xf32> to vector<1024xf32>
    %broadcast_in_dim3A_579 = vector.shape_cast %reduce_sum3A_578 : vector<1024xf32> to vector<1024x1xf32>
    %get3A_580 = arith.constant 1 : index
    %get3A_581 = arith.constant 3 : index
    %get3A_582 = arith.constant 0 : index
    %get3A_583 = arith.constant 0 : index
    %get3A_584 = vector.load %arg6[%get3A_580, %get3A_581, %get3A_582, %get3A_583] : memref<2x4x1024x256xbf16, #tpu.memory_space<vmem>>, vector<1x1x1024x256xbf16>
    %get3A_585 = vector.shape_cast %get3A_584 : vector<1x1x1024x256xbf16> to vector<1024x256xbf16>
    %convert_element_type3A_586 = arith.truncf %sub3A_563 : vector<256x512xf32> to vector<256x512xbf16>
    %dot_general3A_587 = arith.constant dense<0.000000e+00> : vector<1024x512xf32>
    %dot_general3A_588 = tpu.matmul %get3A_585, %convert_element_type3A_586, %dot_general3A_587 {dimension_numbers = #tpu.dot_dimension_numbers<[1], [0], [0], [1], [0, 0, 1, 1], [], []>, transpose_lhs_hint = false} : vector<1024x256xbf16>, vector<256x512xbf16>, vector<1024x512xf32> -> vector<1024x512xf32>
    %add3A_589 = vector.broadcast %broadcast_in_dim3A_579 : vector<1024x1xf32> to vector<1024x512xf32>
    %add3A_590 = arith.addf %dot_general3A_588, %add3A_589 : vector<1024x512xf32>
    %reduce_min3A_591 = arith.constant dense<0x7F800000> : vector<512xf32>
    %reduce_min3A_592 = vector.multi_reduction <minimumf>, %add3A_590, %reduce_min3A_591 [0] : vector<1024x512xf32> to vector<512xf32>
    %broadcast_in_dim3A_593 = vector.shape_cast %reduce_min3A_592 : vector<512xf32> to vector<1x512xf32>
    %le3A_594 = vector.broadcast %broadcast_in_dim3A_593 : vector<1x512xf32> to vector<1024x512xf32>
    %le3A_595 = arith.cmpf ole, %add3A_590, %le3A_594 : vector<1024x512xf32>
    %jit3A_596 = arith.constant 1024 : i32
    %broadcast_in_dim3A_597 = vector.broadcast %jit3A_596 : i32 to vector<1024x512xi32>
    %select_n3A_598 = arith.select %le3A_595, %iota3A, %broadcast_in_dim3A_597 : vector<1024x512xi1>, vector<1024x512xi32>
    %reduce_min3A_599 = arith.constant dense<2147483647> : vector<512xi32>
    %reduce_min3A_600 = vector.multi_reduction <minsi>, %select_n3A_598, %reduce_min3A_599 [0] : vector<1024x512xi32> to vector<512xi32>
    %broadcast_in_dim3A_601 = vector.shape_cast %reduce_min3A_600 : vector<512xi32> to vector<1x512xi32>
    %eq3A_602 = vector.broadcast %broadcast_in_dim3A_601 : vector<1x512xi32> to vector<1024x512xi32>
    %eq3A_603 = arith.cmpi eq, %iota3A, %eq3A_602 : vector<1024x512xi32>
    %convert_element_type3A_604 = arith.extui %eq3A_603 : vector<1024x512xi1> to vector<1024x512xi32>
    %convert_element_type3A_605 = arith.sitofp %convert_element_type3A_604 : vector<1024x512xi32> to vector<1024x512xf32>
    %convert_element_type3A_606 = arith.truncf %convert_element_type3A_605 : vector<1024x512xf32> to vector<1024x512xbf16>
    %get3A_607 = arith.constant 1 : index
    %get3A_608 = arith.constant 3 : index
    %get3A_609 = arith.constant 0 : index
    %get3A_610 = arith.constant 0 : index
    %get3A_611 = vector.load %arg7[%get3A_607, %get3A_608, %get3A_609, %get3A_610] : memref<2x4x256x1024xbf16, #tpu.memory_space<vmem>>, vector<1x1x256x1024xbf16>
    %get3A_612 = vector.shape_cast %get3A_611 : vector<1x1x256x1024xbf16> to vector<256x1024xbf16>
    %dot_general3A_613 = arith.constant dense<0.000000e+00> : vector<256x512xf32>
    %dot_general3A_614 = tpu.matmul %get3A_612, %convert_element_type3A_606, %dot_general3A_613 {dimension_numbers = #tpu.dot_dimension_numbers<[1], [0], [0], [1], [0, 0, 1, 1], [], []>, transpose_lhs_hint = false} : vector<256x1024xbf16>, vector<1024x512xbf16>, vector<256x512xf32> -> vector<256x512xf32>
    %get3A_615 = arith.constant 1 : index
    %get3A_616 = arith.constant 3 : index
    %get3A_617 = arith.constant 0 : index
    %get3A_618 = arith.constant 0 : index
    %get3A_619 = vector.load %arg8[%get3A_615, %get3A_616, %get3A_617, %get3A_618] : memref<2x4x256x1024xbf16, #tpu.memory_space<vmem>>, vector<1x1x256x1024xbf16>
    %get3A_620 = vector.shape_cast %get3A_619 : vector<1x1x256x1024xbf16> to vector<256x1024xbf16>
    %dot_general3A_621 = arith.constant dense<0.000000e+00> : vector<256x512xf32>
    %dot_general3A_622 = tpu.matmul %get3A_620, %convert_element_type3A_606, %dot_general3A_621 {dimension_numbers = #tpu.dot_dimension_numbers<[1], [0], [0], [1], [0, 0, 1, 1], [], []>, transpose_lhs_hint = false} : vector<256x1024xbf16>, vector<1024x512xbf16>, vector<256x512xf32> -> vector<256x512xf32>
    %mul3A_623 = arith.constant 1.52587891E-5 : f32
    %mul3A_624 = vector.broadcast %mul3A_623 : f32 to vector<256x512xf32>
    %mul3A_625 = arith.mulf %dot_general3A_622, %mul3A_624 : vector<256x512xf32>
    %add3A_626 = arith.addf %dot_general3A_614, %mul3A_625 : vector<256x512xf32>
    %get3A_627 = arith.constant 1 : index
    %get3A_628 = arith.constant 3 : index
    %get3A_629 = arith.constant 0 : index
    %get3A_630 = arith.constant 0 : index
    %get3A_631 = vector.load %arg9[%get3A_627, %get3A_628, %get3A_629, %get3A_630] : memref<2x4x256x1024xbf16, #tpu.memory_space<vmem>>, vector<1x1x256x1024xbf16>
    %get3A_632 = vector.shape_cast %get3A_631 : vector<1x1x256x1024xbf16> to vector<256x1024xbf16>
    %dot_general3A_633 = arith.constant dense<0.000000e+00> : vector<256x512xf32>
    %dot_general3A_634 = tpu.matmul %get3A_632, %convert_element_type3A_606, %dot_general3A_633 {dimension_numbers = #tpu.dot_dimension_numbers<[1], [0], [0], [1], [0, 0, 1, 1], [], []>, transpose_lhs_hint = false} : vector<256x1024xbf16>, vector<1024x512xbf16>, vector<256x512xf32> -> vector<256x512xf32>
    %mul3A_635 = arith.constant 2.32830644E-10 : f32
    %mul3A_636 = vector.broadcast %mul3A_635 : f32 to vector<256x512xf32>
    %mul3A_637 = arith.mulf %dot_general3A_634, %mul3A_636 : vector<256x512xf32>
    %add3A_638 = arith.addf %add3A_626, %mul3A_637 : vector<256x512xf32>
    %sub3A_639 = arith.subf %sub3A_563, %add3A_638 : vector<256x512xf32>
    %mul3A_640 = arith.mulf %sub3A_639, %sub3A_639 : vector<256x512xf32>
    %reduce_sum3A_641 = vector.shape_cast %mul3A_640 : vector<256x512xf32> to vector<1x256x512xf32>
    %reduce_sum3A_642 = arith.constant dense<0.000000e+00> : vector<1xf32>
    %reduce_sum3A_643 = vector.multi_reduction <add>, %reduce_sum3A_641, %reduce_sum3A_642 [1, 2] : vector<1x256x512xf32> to vector<1xf32>
    %reduce_sum3A_644 = vector.shape_cast %reduce_sum3A_643 : vector<1xf32> to vector<1x1x1xf32>
    %reduce_sum3A_645 = vector.extract %reduce_sum3A_644[0, 0, 0] : f32 from vector<1x1x1xf32>
    %sub3A_646 = arith.subf %slice3A_341, %sub3A_639 : vector<256x512xf32>
    %concatenate3A_647 = tpu.concatenate %sub3A_340, %sub3A_646 in 0 : vector<256x512xf32>, vector<256x512xf32> -> vector<512x512xf32>
    %get3A_648 = arith.constant 0 : index
    %get3A_649 = arith.constant 0 : index
    %get3A_650 = vector.load %arg4[%get3A_648, %get3A_649] : memref<512x512xbf16, #tpu.memory_space<vmem>>, vector<512x512xbf16>
    %convert_element_type3A_651 = arith.truncf %concatenate3A_647 : vector<512x512xf32> to vector<512x512xbf16>
    %dot_general3A_652 = arith.constant dense<0.000000e+00> : vector<512x512xf32>
    %dot_general3A_653 = tpu.matmul %get3A_650, %convert_element_type3A_651, %dot_general3A_652 {dimension_numbers = #tpu.dot_dimension_numbers<[1], [0], [0], [1], [0, 0, 1, 1], [], []>, transpose_lhs_hint = false} : vector<512x512xbf16>, vector<512x512xbf16>, vector<512x512xf32> -> vector<512x512xf32>
    %get3A_654 = arith.constant 0 : index
    %get3A_655 = arith.constant 0 : index
    %get3A_656 = vector.load %arg12[%get3A_654, %get3A_655] : memref<512x1xf32, #tpu.memory_space<vmem>>, vector<512x1xf32>
    %add3A_657 = vector.broadcast %get3A_656 : vector<512x1xf32> to vector<512x512xf32>
    %add3A_658 = arith.addf %dot_general3A_653, %add3A_657 : vector<512x512xf32>
    %swap3A = arith.constant 0 : index
    %swap3A_659 = arith.constant 0 : index
    %swap3A_660 = arith.constant 0 : index
    %swap3A_661 = vector.load %arg13[%swap3A, %swap3A_659, %swap3A_660] : memref<1x512x512xf32, #tpu.memory_space<vmem>>, vector<1x512x512xf32>
    %swap3A_662 = vector.shape_cast %swap3A_661 : vector<1x512x512xf32> to vector<512x512xf32>
    %swap3A_663 = vector.shape_cast %add3A_658 : vector<512x512xf32> to vector<1x512x512xf32>
    tpu.vector_store %arg13[%swap3A, %swap3A_659, %swap3A_660], %swap3A_663 {strides = array<i32>} : memref<1x512x512xf32, #tpu.memory_space<vmem>>, vector<1x512x512xf32>,
    %concatenate3A_664 = tpu.concatenate %broadcast_in_dim3A_69, %broadcast_in_dim3A_143, %broadcast_in_dim3A_219, %broadcast_in_dim3A_295, %broadcast_in_dim3A_373, %broadcast_in_dim3A_449, %broadcast_in_dim3A_525, %broadcast_in_dim3A_601 in 0 : vector<1x512xi32>, vector<1x512xi32>, vector<1x512xi32>, vector<1x512xi32>, vector<1x512xi32>, vector<1x512xi32>, vector<1x512xi32>, vector<1x512xi32> -> vector<8x512xi32>
    %swap3A_665 = arith.constant 0 : index
    %swap3A_666 = arith.constant 0 : index
    %swap3A_667 = arith.constant 0 : index
    %swap3A_668 = vector.load %arg14[%swap3A_665, %swap3A_666, %swap3A_667] : memref<1x8x512xi32, #tpu.memory_space<vmem>>, vector<1x8x512xi32>
    %swap3A_669 = vector.shape_cast %swap3A_668 : vector<1x8x512xi32> to vector<8x512xi32>
    %swap3A_670 = vector.shape_cast %concatenate3A_664 : vector<8x512xi32> to vector<1x8x512xi32>
    tpu.vector_store %arg14[%swap3A_665, %swap3A_666, %swap3A_667], %swap3A_670 {strides = array<i32>} : memref<1x8x512xi32, #tpu.memory_space<vmem>>, vector<1x8x512xi32>,
    %broadcast_in_dim3A_671 = vector.broadcast %reduce_sum3A_111 : f32 to vector<1x128xf32>
    %broadcast_in_dim3A_672 = vector.broadcast %reduce_sum3A_187 : f32 to vector<1x128xf32>
    %broadcast_in_dim3A_673 = vector.broadcast %reduce_sum3A_263 : f32 to vector<1x128xf32>
    %broadcast_in_dim3A_674 = vector.broadcast %reduce_sum3A_339 : f32 to vector<1x128xf32>
    %broadcast_in_dim3A_675 = vector.broadcast %reduce_sum3A_417 : f32 to vector<1x128xf32>
    %broadcast_in_dim3A_676 = vector.broadcast %reduce_sum3A_493 : f32 to vector<1x128xf32>
    %broadcast_in_dim3A_677 = vector.broadcast %reduce_sum3A_569 : f32 to vector<1x128xf32>
    %broadcast_in_dim3A_678 = vector.broadcast %reduce_sum3A_645 : f32 to vector<1x128xf32>
    %concatenate3A_679 = tpu.concatenate %broadcast_in_dim3A_671, %broadcast_in_dim3A_672, %broadcast_in_dim3A_673, %broadcast_in_dim3A_674, %broadcast_in_dim3A_675, %broadcast_in_dim3A_676, %broadcast_in_dim3A_677, %broadcast_in_dim3A_678 in 0 : vector<1x128xf32>, vector<1x128xf32>, vector<1x128xf32>, vector<1x128xf32>, vector<1x128xf32>, vector<1x128xf32>, vector<1x128xf32>, vector<1x128xf32> -> vector<8x128xf32>
    %swap3A_680 = arith.constant 0 : index
    %swap3A_681 = arith.constant 0 : index
    %swap3A_682 = arith.constant 0 : index
    %swap3A_683 = vector.load %arg15[%swap3A_680, %swap3A_681, %swap3A_682] : memref<1x8x128xf32, #tpu.memory_space<vmem>>, vector<1x8x128xf32>
    %swap3A_684 = vector.shape_cast %swap3A_683 : vector<1x8x128xf32> to vector<8x128xf32>
    %swap3A_685 = vector.shape_cast %concatenate3A_679 : vector<8x128xf32> to vector<1x8x128xf32>
    tpu.vector_store %arg15[%swap3A_680, %swap3A_681, %swap3A_682], %swap3A_685 {strides = array<i32>} : memref<1x8x128xf32, #tpu.memory_space<vmem>>, vector<1x8x128xf32>,
    return
  }
  func.func @transform_0(%arg0: i32) -> (i32, i32, i32) {
    %c0_i32 = arith.constant 0 : i32
    %c0_i32_0 = arith.constant 0 : i32
    %c0_i32_1 = arith.constant 0 : i32
    return %arg0, %c0_i32, %c0_i32_0 : i32, i32, i32
  }
  func.func @transform_1(%arg0: i32) -> (i32, i32, i32) {
    %c0_i32 = arith.constant 0 : i32
    %c0_i32_0 = arith.constant 0 : i32
    %c0_i32_1 = arith.constant 0 : i32
    %c0_i32_2 = arith.constant 0 : i32
    return %c0_i32, %c0_i32_0, %c0_i32_1 : i32, i32, i32
  }
  func.func @transform_2(%arg0: i32) -> (i32, i32) {
    %c0_i32 = arith.constant 0 : i32
    %c0_i32_0 = arith.constant 0 : i32
    %c0_i32_1 = arith.constant 0 : i32
    return %c0_i32, %c0_i32_0 : i32, i32
  }
  func.func @transform_3(%arg0: i32) -> (i32, i32) {
    %c0_i32 = arith.constant 0 : i32
    %c0_i32_0 = arith.constant 0 : i32
    %c0_i32_1 = arith.constant 0 : i32
    return %c0_i32, %c0_i32_0 : i32, i32
  }
  func.func @transform_4(%arg0: i32) -> (i32, i32, i32, i32) {
    %c0_i32 = arith.constant 0 : i32
    %c0_i32_0 = arith.constant 0 : i32
    %c0_i32_1 = arith.constant 0 : i32
    %c0_i32_2 = arith.constant 0 : i32
    %c0_i32_3 = arith.constant 0 : i32
    return %c0_i32, %c0_i32_0, %c0_i32_1, %c0_i32_2 : i32, i32, i32, i32
  }
  func.func @transform_5(%arg0: i32) -> (i32, i32, i32, i32) {
    %c0_i32 = arith.constant 0 : i32
    %c0_i32_0 = arith.constant 0 : i32
    %c0_i32_1 = arith.constant 0 : i32
    %c0_i32_2 = arith.constant 0 : i32
    %c0_i32_3 = arith.constant 0 : i32
    return %c0_i32, %c0_i32_0, %c0_i32_1, %c0_i32_2 : i32, i32, i32, i32
  }
  func.func @transform_6(%arg0: i32) -> (i32, i32, i32, i32) {
    %c0_i32 = arith.constant 0 : i32
    %c0_i32_0 = arith.constant 0 : i32
    %c0_i32_1 = arith.constant 0 : i32
    %c0_i32_2 = arith.constant 0 : i32
    %c0_i32_3 = arith.constant 0 : i32
    return %c0_i32, %c0_i32_0, %c0_i32_1, %c0_i32_2 : i32, i32, i32, i32
  }
  func.func @transform_7(%arg0: i32) -> (i32, i32, i32, i32) {
    %c0_i32 = arith.constant 0 : i32
    %c0_i32_0 = arith.constant 0 : i32
    %c0_i32_1 = arith.constant 0 : i32
    %c0_i32_2 = arith.constant 0 : i32
    %c0_i32_3 = arith.constant 0 : i32
    return %c0_i32, %c0_i32_0, %c0_i32_1, %c0_i32_2 : i32, i32, i32, i32
  }
  func.func @transform_8(%arg0: i32) -> (i32, i32, i32, i32) {
    %c0_i32 = arith.constant 0 : i32
    %c0_i32_0 = arith.constant 0 : i32
    %c0_i32_1 = arith.constant 0 : i32
    %c0_i32_2 = arith.constant 0 : i32
    %c0_i32_3 = arith.constant 0 : i32
    return %c0_i32, %c0_i32_0, %c0_i32_1, %c0_i32_2 : i32, i32, i32, i32
  }
  func.func @transform_9(%arg0: i32) -> (i32, i32) {
    %c0_i32 = arith.constant 0 : i32
    %c0_i32_0 = arith.constant 0 : i32
    %c0_i32_1 = arith.constant 0 : i32
    return %c0_i32, %c0_i32_0 : i32, i32
  }
  func.func @transform_10(%arg0: i32) -> (i32, i32) {
    %c0_i32 = arith.constant 0 : i32
    %c0_i32_0 = arith.constant 0 : i32
    %c0_i32_1 = arith.constant 0 : i32
    return %c0_i32, %c0_i32_0 : i32, i32
  }
  func.func @transform_11(%arg0: i32) -> (i32, i32) {
    %c0_i32 = arith.constant 0 : i32
    %c0_i32_0 = arith.constant 0 : i32
    %c0_i32_1 = arith.constant 0 : i32
    return %c0_i32, %c0_i32_0 : i32, i32
  }
  func.func @transform_12(%arg0: i32) -> (i32, i32, i32) {
    %c0_i32 = arith.constant 0 : i32
    %c0_i32_0 = arith.constant 0 : i32
    %c0_i32_1 = arith.constant 0 : i32
    return %arg0, %c0_i32, %c0_i32_0 : i32, i32, i32
  }
  func.func @transform_13(%arg0: i32) -> (i32, i32, i32) {
    %c0_i32 = arith.constant 0 : i32
    %c0_i32_0 = arith.constant 0 : i32
    %c0_i32_1 = arith.constant 0 : i32
    return %arg0, %c0_i32, %c0_i32_0 : i32, i32, i32
  }
  func.func @transform_14(%arg0: i32) -> (i32, i32, i32) {
    %c0_i32 = arith.constant 0 : i32
    %c0_i32_0 = arith.constant 0 : i32
    %c0_i32_1 = arith.constant 0 : i32
    return %arg0, %c0_i32, %c0_i32_0 : i32, i32, i32
  }
}

</mosaic_0001>

<sc_bundles>
// kernel: kernel.4.cloned.1.call-start
scs
__scs_entry_jumppad:
0x0: {  	(pc) =	sbr.rel $0x88, $3  }
0x1: {  	(tag) =	ssettag $0x0;
	lr =	simm.s32 $0x1  }
0x2: {  	[smem:$0x3F99] =	sst lr;
	_ =	strace $0xD0000000  }
0x3: {  	_ = 	snop  }
0x4: {  	_ = 	snop  }
0x5: {  	_ = 	snop  }
0x6: {  	_ = 	snop  }
0x7: {  	_ = 	snop  }
__scs_overlays_trampoline_lowered:
0x8: {  	[smem:$0x3FA8] =	sst s0  }
0x9: {  	[smem:$0x3FA9] =	sst s1  }
0xa: {  	[smem:$0x3FAA] =	sst s2  }
0xb: {  	[smem:$0x3FAB] =	sst s3  }
0xc: {  	[smem:$0x3FAC] =	sst s4  }
0xd: {  	[smem:$0x3FAD] =	sst s5  }
0xe: {  	[smem:$0x3FAE] =	sst s6  }
0xf: {  	[smem:$0x3FAF] =	sst s7  }
0x10: {  	[smem:$0x3FB0] =	sst s8  }
0x11: {  	[smem:$0x3FB1] =	sst s9;
	s0 =	simm.s32 @!p0 $0x0  }
0x12: {  	s1 =	sld [smem:$0x3F97];
	s0 =	simm.s32 @p0 $0x1  }
0x13: {  	[smem:$0x3FB2] =	sst s0;
	s0 =	simm.s32 @!p1 $0x0  }
0x14: {  	s2 =	sld [smem:$0x3F96];
	s0 =	simm.s32 @p1 $0x1  }
0x15: {  	[smem:$0x3FB3] =	sst s0;
	s0 =	simm.s32 @!p2 $0x0  }
0x16: {  	s3 =	sld [smem:$0x3FDB];
	s0 =	simm.s32 @p2 $0x1  }
0x17: {  	s4 =	simm.s32 $0x1BF5;
	[smem:$0x3FB5] =	sst s0  }
0x18: {  	s0 =	sld [smem:$0x3F98];
	_ =	swait.ge [sflag:s4], $0x0  }
0x19: {  	s7 =	sld [smem:$0x3F99]  }
0x1a: {  	s8 =	sadd.s32 $0xFFFFE003, lr  }
0x1b: {  	s9 =	sadd.s32 $0xFFFFFEF7, lr;
	s5 =	simm.s32 $0xFFFFFFFF;
	p2 =	slt.u32 s8, $0xFFFFF086  }
0x1c: {  	p1 =	slt.u32 s9, $0xF7A;
	s5 =	simm.s32 @!p2 $0x0  }
0x1d: {  	s5 =	simm.s32 @p1 $0x1;
	p0 =	seq.s32 s7, s2  }
0x1e: {  	s7 =	smul.u32 @!p0 $0xF7A, s2;
	p2 =	seq.s32 @!p0 s5, $0x0  }
0x1f: {  	s9 =	smul.u32 $0xF7A, s1;
	s8 =	simm.s32 @!p0 $0x1BF5;
	p2 =	por !p2, p0  }
0x20: {  	[sflag:s8] =	ssyncset.s32 @!p0 $0xFFFFF086;
	s6 =	sadd.s32 @!p0 s3, s7;
	s7 =	simm.s32 @!p0 $0x108  }
0x21: {  	s3 =	sadd.s32 s3, s9;
	s6 =	sadd.s32 @!p0 $0x88, s6;
	s7 =	simm.s32 @p2 $0x1082  }
0x22: {  	[simem:s7], [sflag:s8] =	dma.local @!p0 [hbm:s6], $0xF7A  }
0x23: {  	s9 =	sor.u32 $0xD0000000, s2;
	s6 =	simm.s32 $0x108;
	_ =	swait.ge @!p0 [sflag:s8], $0x0  }
0x24: {  	s3 =	sadd.s32 $0x88, s3;
	s6 =	simm.s32 @!p1 $0x1082;
	[sflag:s4] =	ssyncset.s32 $0xFFFFF086  }
0x25: {  	[simem:s6], [sflag:s4] =	dma.local [hbm:s3], $0xF7A  }
0x26: {  	[smem:$0x3F99] =	sst s1;
	(tag) =	ssettag s2;
	_ =	strace s9  }
0x27: {  	s1 =	sld [smem:$0x3FA9]  }
0x28: {  	s2 =	sld [smem:$0x3FAA]  }
0x29: {  	s4 =	sld [smem:$0x3FAC]  }
0x2a: {  	p0 =	seq.s32 s5, $0x0;
	s5 =	sld [smem:$0x3FAD]  }
0x2b: {  	s6 =	sld [smem:$0x3FAE]  }
0x2c: {  	s7 =	sld [smem:$0x3FAF]  }
0x2d: {  	s3 =	simm.s32 $0x108;
	s8 =	sld [smem:$0x3FB0]  }
0x2e: {  	s3 =	simm.s32 @!p0 $0x1082;
	s9 =	sld [smem:$0x3FB1]  }
0x2f: {  	lr =	sadd.s32 s0, s3;
	s0 =	sld [smem:$0x3FA8]  }
0x30: {  	s3 =	sld [smem:$0x3FAB]  }
0x31: {  	[smem:$0x3FB4] =	sst s10  }
0x32: {  	s10 =	sld [smem:$0x3FB2];
	_ =	sdelay $0x3  }
0x33: {  	p0 =	seq.s32 s10, $0x1;
	s10 =	sld [smem:$0x3FB4];
	_ =	sdelay $0x3  }
0x34: {  	[smem:$0x3FB4] =	sst s10  }
0x35: {  	s10 =	sld [smem:$0x3FB3];
	_ =	sdelay $0x3  }
0x36: {  	p1 =	seq.s32 s10, $0x1;
	s10 =	sld [smem:$0x3FB4];
	_ =	sdelay $0x3  }
0x37: {  	[smem:$0x3FB4] =	sst s10  }
0x38: {  	s10 =	sld [smem:$0x3FB5]  }
0x39: {  	_ = 	snop;
	(pc) =	sbr.ind lr, $3  }
0x3a: {  	_ = 	snop  }
0x3b: {  	_ = 	snop  }
0x3c: {  	p2 =	seq.s32 s10, $0x1;
	s10 =	sld [smem:$0x3FB4]  }
0x3d: {  	_ =	shalt  }
0x3e: {  	_ =	shalt  }
0x3f: {  	_ =	shalt  }
0x40: {  	_ =	shalt  }
0x41: {  	_ =	shalt  }
0x42: {  	_ =	shalt  }
0x43: {  	_ =	shalt  }
0x44: {  	_ =	shalt  }
0x45: {  	_ =	shalt  }
0x46: {  	_ =	shalt  }
0x47: {  	_ =	shalt  }
0x48: {  	_ =	shalt  }
0x49: {  	_ =	shalt  }
0x4a: {  	_ =	shalt  }
0x4b: {  	_ =	shalt  }
0x4c: {  	_ =	shalt  }
0x4d: {  	_ =	shalt  }
0x4e: {  	_ =	shalt  }
0x4f: {  	_ =	shalt  }
0x50: {  	_ =	shalt  }
0x51: {  	_ =	shalt  }
0x52: {  	_ =	shalt  }
0x53: {  	_ =	shalt  }
0x54: {  	_ =	shalt  }
0x55: {  	_ =	shalt  }
0x56: {  	_ =	shalt  }
0x57: {  	_ =	shalt  }
0x58: {  	_ =	shalt  }
0x59: {  	_ =	shalt  }
0x5a: {  	_ =	shalt  }
0x5b: {  	_ =	shalt  }
0x5c: {  	_ =	shalt  }
0x5d: {  	_ =	shalt  }
0x5e: {  	_ =	shalt  }
0x5f: {  	_ =	shalt  }
0x60: {  	_ =	shalt  }
0x61: {  	_ =	shalt  }
0x62: {  	_ =	shalt  }
0x63: {  	_ =	shalt  }
0x64: {  	_ =	shalt  }
0x65: {  	_ =	shalt  }
0x66: {  	_ =	shalt  }
0x67: {  	_ =	shalt  }
0x68: {  	_ =	shalt  }
0x69: {  	_ =	shalt  }
0x6a: {  	_ =	shalt  }
0x6b: {  	_ =	shalt  }
0x6c: {  	_ =	shalt  }
0x6d: {  	_ =	shalt  }
0x6e: {  	_ =	shalt  }
0x6f: {  	_ =	shalt  }
0x70: {  	_ =	shalt  }
0x71: {  	_ =	shalt  }
0x72: {  	_ =	shalt  }
0x73: {  	_ =	shalt  }
0x74: {  	_ =	shalt  }
0x75: {  	_ =	shalt  }
0x76: {  	_ =	shalt  }
0x77: {  	_ =	shalt  }
0x78: {  	_ =	shalt  }
0x79: {  	_ =	shalt  }
0x7a: {  	_ =	shalt  }
0x7b: {  	_ =	shalt  }
0x7c: {  	_ =	shalt  }
0x7d: {  	_ =	shalt  }
0x7e: {  	_ =	shalt  }
0x7f: {  	_ =	shalt  }
0x80: {  	_ =	shalt  }
0x81: {  	_ =	shalt  }
0x82: {  	_ =	shalt  }
0x83: {  	_ =	shalt  }
0x84: {  	_ =	shalt  }
0x85: {  	_ =	shalt  }
0x86: {  	_ =	shalt  }
0x87: {  	_ =	shalt  }
.Lfunc_end0:
.L_simem_size_0:
called_computation_lowered:
.L_overlay_start_0:
0x88: {  	s2 =	sld [smem:$0x3FD9]  }
0x89: {  	s3 =	sld [smem:$0x3FFE];
	_ =	sdelay $0x1  }
0x8a: {  	s1 =	srdreg.scid  }
0x8b: {  	s0 =	sand.u32 $0x1, s1  }
0x8c: {  	s14 =	sshll.u32 s0, $0xA;
	s2 =	sadd.s32 s3, s2  }
0x8d: {  	s2 =	sadd.s32 s2, s14  }
0x8e: {  	[smem:$0x3FC0] =	sst s2  }
0x8f: {  	_ = 	snop  }
0x90: {  	s2 =	sld [smem:$0x3FD0];
	_ =	sdelay $0x2  }
0x91: {  	s4 =	simm.s32 $0xA;
	s5 =	simm.s32 $0x10;
	s15 =	sld [smem:$0x3FC4]  }
0x92: {  	[smem:s5], [sflag:s4] =	dma.local [hbm:s2], $0x1  }
0x93: {  	_ =	swait.eq [sflag:s4], $0x1  }
0x94: {  	[sflag:s4] =	ssyncset.done $0x0  }
0x95: {  	[sflag:s4] =	ssyncadd.s32 $0xFFFFFFFF  }
0x96: {  	s16 =	sld [smem:$0x13];
	(tm) =	ssettm $0x1  }
0x97: {  	s17 =	sld [smem:$0x3FFB];
	_ =	sdelay $0x3  }
0x98: {  	_ =	strace s17  }
0x99: {  	s4 =	sld [smem:$0x3FFC];
	_ =	sdelay $0x3  }
0x9a: {  	_ =	strace s4  }
0x9b: {  	s4 =	sld [smem:$0x3FFD];
	_ =	sdelay $0x3  }
0x9c: {  	_ =	strace s4  }
0x9d: {  	_ =	strace $0x8FFFFFFF  }
0x9e: {  	s18 =	sld [smem:$0x3FDB];
	_ =	sdelay $0x1  }
0x9f: {  	s19 =	simm.s32 $_scs_section_size  }
0xa0: {  	s6 =	simm.s32 $_size__tile_overlayer_lowered;
	s7 =	simm.s32 $_tile_overlayer_lowered  }
0xa1: {  	s22 =	simm.s32 $0x1BFF;
	s21 =	sshll.u32 s7, $0x1;
	s4 =	sadd.s32 s19, s18  }
0xa2: {  	s8 =	simm.s32 $0x0;
	s20 =	sshll.u32 s6, $0x1;
	s6 =	sadd.s32 s21, s4  }
0xa3: {  	[timem:s8], [sflag:s22] =	dma.local [hbm:s6], s20  }
0xa4: {  	_ =	swait.ge [sflag:s22], s20  }
0xa5: {  	s5 =	ssub.s32 $0x0, s20;
	[sflag:s22] =	ssyncset.done $0x0  }
0xa6: {  	[sflag:s22] =	ssyncadd.s32 s5;
	_ =	sdelay $0x1  }
0xa7: {  	s23 =	simm.s32 $0x1B8B  }
0xa8: {  	_ =	swait.ge [sflag:s23], $0x1  }
0xa9: {  	[sflag:s23] =	ssyncset.done $0x0  }
0xaa: {  	s25 =	simm.s32 $0x1B8E;
	s24 =	sld [smem:$0x3FFE];
	[sflag:s23] =	ssyncadd.s32 $0xFFFFFFFF  }
0xab: {  	s26 =	simm.s32 $execute0_lowered;
	[smem:$0x3FD2] =	sst s25  }
0xac: {  	s6 =	sshll.u32 s26, $0x1;
	_ =	strace $0x80000046;
	[dreg:$0x1] =	wrdreg $0xFFFFFFFF  }
0xad: {  	s28 =	simm.s32 $_size_execute0_lowered;
	s4 =	sadd.s32 s4, s6;
	[dreg:$0x0] =	wrdreg $0x0  }
0xae: {  	s6 =	sshll.u32 s28, $0x1;
	[dreg:$0x2] =	wrdreg s4  }
0xaf: {  	[dreg:$0x3] =	wrdreg s6  }
0xb0: {  	[dreg:$0x4] =	wrdreg $0xC0  }
0xb1: {  	_ =	task [dreg:s8], $0x5FFFF  }
0xb2: {  	[dreg:$0x1] =	wrdreg $0xFFFFFFFF  }
0xb3: {  	[dreg:$0x0] =	wrdreg $0x60  }
0xb4: {  	[dreg:$0x2] =	wrdreg s15  }
0xb5: {  	[dreg:$0x3] =	wrdreg s24  }
0xb6: {  	[dreg:$0x4] =	wrdreg s16  }
0xb7: {  	[dreg:$0x5] =	wrdreg $0x9  }
0xb8: {  	_ =	task.clear_ibuf [dreg:s8], $0x6FFFF;
	_ =	strace $0x90000046  }
0xb9: {  	s29 =	simm.s32 $0x9;
	_ =	strace $0x80000048  }
0xba: {  	_ =	swait.ge [sflag:s29], $0x1  }
0xbb: {  	[sflag:s29] =	ssyncadd.s32 $0xFFFFFFFF  }
0xbc: {  	_ =	strace $0x90000048  }
0xbd: {  	_ =	sfence  }
0xbe: {  	s30 =	sld [smem:$0x0];
	_ =	sdelay $0x2  }
0xbf: {  	s31 =	sshll.u32 s1, $0xD;
	s1 =	sshrl.u32 s1, $0x2  }
0xc0: {  	s3 =	sand.u32 $0x4000, s31;
	s1 =	sadd.s32 s1, s30  }
0xc1: {  	s0 =	sor.u32 s3, s0;
	s1 =	sshll.u32 s1, $0x11  }
0xc2: {  	s0 =	sor.u32 s1, s0  }
0xc3: {  	s0 =	sadd.s32 $0x8F2B, s0  }
0xc4: {  	[sflag:s0] =	ssyncadd.remote.s32 $0x1  }
0xc5: {  	_ =	sfence.sel $0xFFFF  }
0xc6: {  	[dreg:$0x0] =	wrdreg $0xFFFFFFFF;
	(pc) =	sbr.abs _section_cstart, $3  }
0xc7: {  	[dreg:$0x1] =	wrdreg $0xFFFFFFFF  }
0xc8: {  	_ =	task.clear_ibuf [dreg:s8], $0x2FFFF;
	_ =	strace $0x9FFFFFFF  }
0xc9: {  	(tm) =	ssettm $0x7FFFFFFF  }
tec
execute0_lowered:
.L_overlay_start_1:
0x0: {  	(tag) =	ssettag $0x1  }
0x1: {  	s1 =	rddreg [dreg:$0x0]  }
0x2: {  	s0 =	rddreg [dreg:$0x1]  }
0x3: {  	s2 =	rddreg [dreg:$0x2];
	s4 =	srdreg.scid;
	s3 =	simm.s32 $0x0  }
0x4: {  	s5 =	stileid.u32;
	s28 =	simm.s32 $0x100;
	s12 =	simm.s32 $0x1  }
0x5: {  	s4 =	sand.u32 $0x1, s4;
	[smem:$0x7FF] =	sst s3;
	s5 =	sshll.u32 s5, $0xB  }
0x6: {  	s0 =	sadd.s32 $0x2000, s0;
	s6 =	sshll.u32 s4, $0xA;
	s4 =	ssub.s32 $0x2, s4  }
0x7: {  	_ =	strace $0x80000047;
	s5 =	sor.u32 s6, s5;
	s25 =	sshrl.u32 s4, $0x1  }
0x8: {  	s6 =	sshrl.u32 s5, $0x3;
	s7 =	sshll.u32 s5, $0x5;
	s8 =	sor.u32 $0x100, s5  }
0x9: {  	s24 =	sor.u32 $0x200, s5;
	s5 =	sor.u32 $0x300, s5;
	s6 =	sadd.s32 s0, s6  }
0xa: {  	s19 =	sadd.s32 s2, s7;
	s20 =	sshrl.u32 s8, $0x3;
	[dreg:$0x4] =	wrdreg s6  }
0xb: {  	s22 =	sshll.u32 s8, $0x5;
	[dreg:$0x5] =	wrdreg s19;
	s21 =	sadd.s32 s0, s20  }
0xc: {  	s26 =	sshrl.u32 s24, $0x3;
	s23 =	sadd.s32 s2, s22;
	[dreg:$0x6] =	wrdreg s21  }
0xd: {  	s7 =	sshll.u32 s24, $0x5;
	s6 =	sadd.s32 s0, s26;
	[dreg:$0x7] =	wrdreg s23  }
0xe: {  	s30 =	sshrl.u32 s5, $0x3;
	s29 =	sadd.s32 s2, s7;
	[dreg:$0x8] =	wrdreg s6  }
0xf: {  	v2 =	vlaneseq.u32;
	s5 =	sshll.u32 s5, $0x5;
	s0 =	sadd.s32 s0, s30;
	[dreg:$0x9] =	wrdreg s29  }
0x10: {  	vm0 =	vmmov $0xffff;
	v1 =	vshrl.u32 v2, $0x3;
	s4 =	ssub.s32 s4, s25;
	s31 =	sadd.s32 s2, s5;
	[dreg:$0xa] =	wrdreg s0  }
0x11: {  	v0 =	vand.u32 $0x7, v2;
	v2 =	vor.u32 $0x8, v2;
	v1 =	vmul.u32 $0x8, v1;
	s4 =	smax.u32 s4, $0x1;
	s5 =	simm.s32 $0x2;
	[dreg:$0xb] =	wrdreg s31  }
.LBB2_1:
0x12: {  	s13 =	rddreg [dreg:$0x4]  }
0x13: {  	[tilespmem:s3], [sflag:$0x2] =	stream.linear.gather [hbm4b:s13+s3], $0x100, $0x38;
	[tilespmem:$0x10100] =	vst v63  }
0x14: {  	_ =	swait.ge [sflag:s5], $0x100  }
0x15: {  	[sflag:s5] =	ssyncset.done $0x0  }
0x16: {  	[sflag:s5] =	ssyncadd.s32 $0xFFFFFF00  }
0x17: {  	v3 =	vld [tilespmem:$0x0];
	_ =	sdelay $0x4  }
0x18: {  	v4 =	vshll.u32 v3, $0x1  }
0x19: {  	v3 =	vand.u32 $0x7, v3;
	v4 =	vand.u32 $0xFFFFFFF0, v4  }
0x1a: {  	v3 =	vor.u32 v3, v4  }
0x1b: {  	v4 =	vperm.xlane v3, v0;
	_ =	sdelay $0x1  }
0x1c: {  	v3 =	vperm.xlane v3, v2;
	v4 =	vadd.s32 v1, v4;
	_ =	sdelay $0x1  }
0x1d: {  	v3 =	vadd.s32 v1, v3;
	_ =	sdelay $0x2  }
0x1e: {  	[tilespmem:s28], [sflag:$0x1] =	stream.indirect_vreg.gather [hbm4b:s1+s3], $0x80, v4, vm0, $0xb8;
	[tilespmem:$0x10100] =	vst v63  }
0x1f: {  	s0 =	simm.s32 $0x900  }
0x20: {  	[tilespmem:s0], [sflag:$0x1] =	stream.indirect_vreg.gather [hbm4b:s1+s3], $0x80, v3, vm0, $0xb8;
	[tilespmem:$0x10100] =	vst v63  }
0x21: {  	v3 =	vld [tilespmem:$0x10];
	_ =	sdelay $0x4  }
0x22: {  	v57 =	vshll.u32 v3, $0x1  }
0x23: {  	v3 =	vand.u32 $0x7, v3;
	v4 =	vand.u32 $0xFFFFFFF0, v57  }
0x24: {  	v3 =	vor.u32 v3, v4  }
0x25: {  	v4 =	vperm.xlane v3, v0;
	_ =	sdelay $0x1  }
0x26: {  	v3 =	vperm.xlane v3, v2;
	v4 =	vadd.s32 v1, v4;
	_ =	sdelay $0x1  }
0x27: {  	v3 =	vadd.s32 v1, v3;
	_ =	sdelay $0x1  }
0x28: {  	s7 =	simm.s32 $0x1100  }
0x29: {  	[tilespmem:s7], [sflag:$0x1] =	stream.indirect_vreg.gather [hbm4b:s1+s3], $0x80, v4, vm0, $0xb8;
	[tilespmem:$0x10100] =	vst v63  }
0x2a: {  	s8 =	simm.s32 $0x1900  }
0x2b: {  	[tilespmem:s8], [sflag:$0x1] =	stream.indirect_vreg.gather [hbm4b:s1+s3], $0x80, v3, vm0, $0xb8;
	[tilespmem:$0x10100] =	vst v63  }
0x2c: {  	v3 =	vld [tilespmem:$0x20];
	_ =	sdelay $0x4  }
0x2d: {  	v58 =	vshll.u32 v3, $0x1  }
0x2e: {  	v3 =	vand.u32 $0x7, v3;
	v4 =	vand.u32 $0xFFFFFFF0, v58  }
0x2f: {  	v3 =	vor.u32 v3, v4  }
0x30: {  	v4 =	vperm.xlane v3, v0;
	_ =	sdelay $0x1  }
0x31: {  	v3 =	vperm.xlane v3, v2;
	v4 =	vadd.s32 v1, v4;
	_ =	sdelay $0x1  }
0x32: {  	v3 =	vadd.s32 v1, v3;
	_ =	sdelay $0x1  }
0x33: {  	s9 =	simm.s32 $0x2100  }
0x34: {  	[tilespmem:s9], [sflag:$0x1] =	stream.indirect_vreg.gather [hbm4b:s1+s3], $0x80, v4, vm0, $0xb8;
	[tilespmem:$0x10100] =	vst v63  }
0x35: {  	s10 =	simm.s32 $0x2900  }
0x36: {  	[tilespmem:s10], [sflag:$0x1] =	stream.indirect_vreg.gather [hbm4b:s1+s3], $0x80, v3, vm0, $0xb8;
	[tilespmem:$0x10100] =	vst v63  }
0x37: {  	v3 =	vld [tilespmem:$0x30];
	_ =	sdelay $0x4  }
0x38: {  	v59 =	vshll.u32 v3, $0x1  }
0x39: {  	v3 =	vand.u32 $0x7, v3;
	v4 =	vand.u32 $0xFFFFFFF0, v59  }
0x3a: {  	v3 =	vor.u32 v3, v4  }
0x3b: {  	v4 =	vperm.xlane v3, v0;
	_ =	sdelay $0x1  }
0x3c: {  	v3 =	vperm.xlane v3, v2;
	v4 =	vadd.s32 v1, v4;
	_ =	sdelay $0x1  }
0x3d: {  	v3 =	vadd.s32 v1, v3;
	_ =	sdelay $0x1  }
0x3e: {  	s11 =	simm.s32 $0x3100  }
0x3f: {  	[tilespmem:s11], [sflag:$0x1] =	stream.indirect_vreg.gather [hbm4b:s1+s3], $0x80, v4, vm0, $0xb8;
	[tilespmem:$0x10100] =	vst v63  }
0x40: {  	s13 =	simm.s32 $0x3900  }
0x41: {  	[tilespmem:s13], [sflag:$0x1] =	stream.indirect_vreg.gather [hbm4b:s1+s3], $0x80, v3, vm0, $0xb8;
	[tilespmem:$0x10100] =	vst v63  }
0x42: {  	v3 =	vld [tilespmem:$0x40];
	_ =	sdelay $0x4  }
0x43: {  	v60 =	vshll.u32 v3, $0x1  }
0x44: {  	v3 =	vand.u32 $0x7, v3;
	v4 =	vand.u32 $0xFFFFFFF0, v60  }
0x45: {  	v3 =	vor.u32 v3, v4  }
0x46: {  	v4 =	vperm.xlane v3, v0;
	_ =	sdelay $0x1  }
0x47: {  	v3 =	vperm.xlane v3, v2;
	v4 =	vadd.s32 v1, v4;
	_ =	sdelay $0x1  }
0x48: {  	v3 =	vadd.s32 v1, v3;
	_ =	sdelay $0x1  }
0x49: {  	s14 =	simm.s32 $0x4100  }
0x4a: {  	[tilespmem:s14], [sflag:$0x1] =	stream.indirect_vreg.gather [hbm4b:s1+s3], $0x80, v4, vm0, $0xb8;
	[tilespmem:$0x10100] =	vst v63  }
0x4b: {  	s15 =	simm.s32 $0x4900  }
0x4c: {  	[tilespmem:s15], [sflag:$0x1] =	stream.indirect_vreg.gather [hbm4b:s1+s3], $0x80, v3, vm0, $0xb8;
	[tilespmem:$0x10100] =	vst v63  }
0x4d: {  	v3 =	vld [tilespmem:$0x50];
	_ =	sdelay $0x4  }
0x4e: {  	v61 =	vshll.u32 v3, $0x1  }
0x4f: {  	v3 =	vand.u32 $0x7, v3;
	v4 =	vand.u32 $0xFFFFFFF0, v61  }
0x50: {  	v3 =	vor.u32 v3, v4  }
0x51: {  	v4 =	vperm.xlane v3, v0;
	_ =	sdelay $0x1  }
0x52: {  	v3 =	vperm.xlane v3, v2;
	v4 =	vadd.s32 v1, v4;
	_ =	sdelay $0x1  }
0x53: {  	v3 =	vadd.s32 v1, v3;
	_ =	sdelay $0x1  }
0x54: {  	s16 =	simm.s32 $0x5100  }
0x55: {  	[tilespmem:s16], [sflag:$0x1] =	stream.indirect_vreg.gather [hbm4b:s1+s3], $0x80, v4, vm0, $0xb8;
	[tilespmem:$0x10100] =	vst v63  }
0x56: {  	s17 =	simm.s32 $0x5900  }
0x57: {  	[tilespmem:s17], [sflag:$0x1] =	stream.indirect_vreg.gather [hbm4b:s1+s3], $0x80, v3, vm0, $0xb8;
	[tilespmem:$0x10100] =	vst v63  }
0x58: {  	v3 =	vld [tilespmem:$0x60];
	_ =	sdelay $0x4  }
0x59: {  	v62 =	vshll.u32 v3, $0x1  }
0x5a: {  	v3 =	vand.u32 $0x7, v3;
	v4 =	vand.u32 $0xFFFFFFF0, v62  }
0x5b: {  	v3 =	vor.u32 v3, v4  }
0x5c: {  	v4 =	vperm.xlane v3, v0;
	_ =	sdelay $0x1  }
0x5d: {  	v3 =	vperm.xlane v3, v2;
	v4 =	vadd.s32 v1, v4;
	_ =	sdelay $0x1  }
0x5e: {  	v3 =	vadd.s32 v1, v3;
	_ =	sdelay $0x1  }
0x5f: {  	s18 =	simm.s32 $0x6100  }
0x60: {  	[tilespmem:s18], [sflag:$0x1] =	stream.indirect_vreg.gather [hbm4b:s1+s3], $0x80, v4, vm0, $0xb8;
	[tilespmem:$0x10100] =	vst v63  }
0x61: {  	s19 =	simm.s32 $0x6900  }
0x62: {  	[tilespmem:s19], [sflag:$0x1] =	stream.indirect_vreg.gather [hbm4b:s1+s3], $0x80, v3, vm0, $0xb8;
	[tilespmem:$0x10100] =	vst v63  }
0x63: {  	v3 =	vld [tilespmem:$0x70];
	_ =	sdelay $0x4  }
0x64: {  	v63 =	vshll.u32 v3, $0x1  }
0x65: {  	v3 =	vand.u32 $0x7, v3;
	v4 =	vand.u32 $0xFFFFFFF0, v63  }
0x66: {  	v3 =	vor.u32 v3, v4  }
0x67: {  	v4 =	vperm.xlane v3, v0;
	_ =	sdelay $0x1  }
0x68: {  	v3 =	vperm.xlane v3, v2;
	v4 =	vadd.s32 v1, v4;
	_ =	sdelay $0x1  }
0x69: {  	v3 =	vadd.s32 v1, v3;
	_ =	sdelay $0x1  }
0x6a: {  	s20 =	simm.s32 $0x7100  }
0x6b: {  	[tilespmem:s20], [sflag:$0x1] =	stream.indirect_vreg.gather [hbm4b:s1+s3], $0x80, v4, vm0, $0xb8;
	[tilespmem:$0x10100] =	vst v63  }
0x6c: {  	s21 =	simm.s32 $0x7900  }
0x6d: {  	[tilespmem:s21], [sflag:$0x1] =	stream.indirect_vreg.gather [hbm4b:s1+s3], $0x80, v3, vm0, $0xb8;
	[tilespmem:$0x10100] =	vst v63  }
0x6e: {  	v3 =	vld [tilespmem:$0x80];
	_ =	sdelay $0x4  }
0x6f: {  	v8 =	vshll.u32 v3, $0x1  }
0x70: {  	v3 =	vand.u32 $0x7, v3;
	v4 =	vand.u32 $0xFFFFFFF0, v8  }
0x71: {  	v3 =	vor.u32 v3, v4  }
0x72: {  	v4 =	vperm.xlane v3, v0;
	_ =	sdelay $0x1  }
0x73: {  	v3 =	vperm.xlane v3, v2;
	v4 =	vadd.s32 v1, v4;
	_ =	sdelay $0x1  }
0x74: {  	v3 =	vadd.s32 v1, v3;
	_ =	sdelay $0x1  }
0x75: {  	s22 =	simm.s32 $0x8100  }
0x76: {  	[tilespmem:s22], [sflag:$0x1] =	stream.indirect_vreg.gather [hbm4b:s1+s3], $0x80, v4, vm0, $0xb8;
	[tilespmem:$0x10100] =	vst v63  }
0x77: {  	s23 =	simm.s32 $0x8900  }
0x78: {  	[tilespmem:s23], [sflag:$0x1] =	stream.indirect_vreg.gather [hbm4b:s1+s3], $0x80, v3, vm0, $0xb8;
	[tilespmem:$0x10100] =	vst v63  }
0x79: {  	v3 =	vld [tilespmem:$0x90];
	_ =	sdelay $0x4  }
0x7a: {  	v9 =	vshll.u32 v3, $0x1  }
0x7b: {  	v3 =	vand.u32 $0x7, v3;
	v4 =	vand.u32 $0xFFFFFFF0, v9  }
0x7c: {  	v3 =	vor.u32 v3, v4  }
0x7d: {  	v4 =	vperm.xlane v3, v0;
	_ =	sdelay $0x1  }
0x7e: {  	v3 =	vperm.xlane v3, v2;
	v4 =	vadd.s32 v1, v4;
	_ =	sdelay $0x1  }
0x7f: {  	v3 =	vadd.s32 v1, v3;
	_ =	sdelay $0x1  }
0x80: {  	s24 =	simm.s32 $0x9100  }
0x81: {  	[tilespmem:s24], [sflag:$0x1] =	stream.indirect_vreg.gather [hbm4b:s1+s3], $0x80, v4, vm0, $0xb8;
	[tilespmem:$0x10100] =	vst v63  }
0x82: {  	s25 =	simm.s32 $0x9900  }
0x83: {  	[tilespmem:s25], [sflag:$0x1] =	stream.indirect_vreg.gather [hbm4b:s1+s3], $0x80, v3, vm0, $0xb8;
	[tilespmem:$0x10100] =	vst v63  }
0x84: {  	v3 =	vld [tilespmem:$0xA0];
	_ =	sdelay $0x4  }
0x85: {  	v10 =	vshll.u32 v3, $0x1  }
0x86: {  	v3 =	vand.u32 $0x7, v3;
	v4 =	vand.u32 $0xFFFFFFF0, v10  }
0x87: {  	v3 =	vor.u32 v3, v4  }
0x88: {  	v4 =	vperm.xlane v3, v0;
	_ =	sdelay $0x1  }
0x89: {  	v3 =	vperm.xlane v3, v2;
	v4 =	vadd.s32 v1, v4;
	_ =	sdelay $0x1  }
0x8a: {  	v3 =	vadd.s32 v1, v3;
	_ =	sdelay $0x1  }
0x8b: {  	s26 =	simm.s32 $0xA100  }
0x8c: {  	[tilespmem:s26], [sflag:$0x1] =	stream.indirect_vreg.gather [hbm4b:s1+s3], $0x80, v4, vm0, $0xb8;
	[tilespmem:$0x10100] =	vst v63  }
0x8d: {  	s29 =	simm.s32 $0xA900  }
0x8e: {  	[tilespmem:s29], [sflag:$0x1] =	stream.indirect_vreg.gather [hbm4b:s1+s3], $0x80, v3, vm0, $0xb8;
	[tilespmem:$0x10100] =	vst v63  }
0x8f: {  	v3 =	vld [tilespmem:$0xB0];
	_ =	sdelay $0x4  }
0x90: {  	v11 =	vshll.u32 v3, $0x1  }
0x91: {  	v3 =	vand.u32 $0x7, v3;
	v4 =	vand.u32 $0xFFFFFFF0, v11  }
0x92: {  	v3 =	vor.u32 v3, v4  }
0x93: {  	v4 =	vperm.xlane v3, v0;
	_ =	sdelay $0x1  }
0x94: {  	v3 =	vperm.xlane v3, v2;
	v4 =	vadd.s32 v1, v4;
	_ =	sdelay $0x1  }
0x95: {  	v3 =	vadd.s32 v1, v3;
	_ =	sdelay $0x1  }
0x96: {  	s30 =	simm.s32 $0xB100  }
0x97: {  	[tilespmem:s30], [sflag:$0x1] =	stream.indirect_vreg.gather [hbm4b:s1+s3], $0x80, v4, vm0, $0xb8;
	[tilespmem:$0x10100] =	vst v63  }
0x98: {  	s31 =	simm.s32 $0xB900  }
0x99: {  	[tilespmem:s31], [sflag:$0x1] =	stream.indirect_vreg.gather [hbm4b:s1+s3], $0x80, v3, vm0, $0xb8;
	[tilespmem:$0x10100] =	vst v63  }
0x9a: {  	v3 =	vld [tilespmem:$0xC0];
	_ =	sdelay $0x4  }
0x9b: {  	v12 =	vshll.u32 v3, $0x1  }
0x9c: {  	v3 =	vand.u32 $0x7, v3;
	v4 =	vand.u32 $0xFFFFFFF0, v12  }
0x9d: {  	v3 =	vor.u32 v3, v4  }
0x9e: {  	v4 =	vperm.xlane v3, v0;
	_ =	sdelay $0x1  }
0x9f: {  	v3 =	vperm.xlane v3, v2;
	v4 =	vadd.s32 v1, v4;
	_ =	sdelay $0x1  }
0xa0: {  	v3 =	vadd.s32 v1, v3;
	_ =	sdelay $0x1  }
0xa1: {  	s9 =	simm.s32 $0xC100  }
0xa2: {  	[tilespmem:s9], [sflag:$0x1] =	stream.indirect_vreg.gather [hbm4b:s1+s3], $0x80, v4, vm0, $0xb8;
	[tilespmem:$0x10100] =	vst v63  }
0xa3: {  	s11 =	simm.s32 $0xC900  }
0xa4: {  	[tilespmem:s11], [sflag:$0x1] =	stream.indirect_vreg.gather [hbm4b:s1+s3], $0x80, v3, vm0, $0xb8;
	[tilespmem:$0x10100] =	vst v63  }
0xa5: {  	v3 =	vld [tilespmem:$0xD0];
	_ =	sdelay $0x4  }
0xa6: {  	v13 =	vshll.u32 v3, $0x1  }
0xa7: {  	v3 =	vand.u32 $0x7, v3;
	v4 =	vand.u32 $0xFFFFFFF0, v13  }
0xa8: {  	v3 =	vor.u32 v3, v4  }
0xa9: {  	v4 =	vperm.xlane v3, v0;
	_ =	sdelay $0x1  }
0xaa: {  	v3 =	vperm.xlane v3, v2;
	v4 =	vadd.s32 v1, v4;
	_ =	sdelay $0x1  }
0xab: {  	v3 =	vadd.s32 v1, v3;
	_ =	sdelay $0x1  }
0xac: {  	s14 =	simm.s32 $0xD100  }
0xad: {  	[tilespmem:s14], [sflag:$0x1] =	stream.indirect_vreg.gather [hbm4b:s1+s3], $0x80, v4, vm0, $0xb8;
	[tilespmem:$0x10100] =	vst v63  }
0xae: {  	s15 =	simm.s32 $0xD900  }
0xaf: {  	[tilespmem:s15], [sflag:$0x1] =	stream.indirect_vreg.gather [hbm4b:s1+s3], $0x80, v3, vm0, $0xb8;
	[tilespmem:$0x10100] =	vst v63  }
0xb0: {  	v3 =	vld [tilespmem:$0xE0];
	_ =	sdelay $0x4  }
0xb1: {  	v14 =	vshll.u32 v3, $0x1  }
0xb2: {  	v3 =	vand.u32 $0x7, v3;
	v4 =	vand.u32 $0xFFFFFFF0, v14  }
0xb3: {  	v3 =	vor.u32 v3, v4  }
0xb4: {  	v4 =	vperm.xlane v3, v0;
	_ =	sdelay $0x1  }
0xb5: {  	v3 =	vperm.xlane v3, v2;
	v4 =	vadd.s32 v1, v4;
	_ =	sdelay $0x1  }
0xb6: {  	v3 =	vadd.s32 v1, v3;
	_ =	sdelay $0x1  }
0xb7: {  	s16 =	simm.s32 $0xE100  }
0xb8: {  	[tilespmem:s16], [sflag:$0x1] =	stream.indirect_vreg.gather [hbm4b:s1+s3], $0x80, v4, vm0, $0xb8;
	[tilespmem:$0x10100] =	vst v63  }
0xb9: {  	s18 =	simm.s32 $0xE900  }
0xba: {  	[tilespmem:s18], [sflag:$0x1] =	stream.indirect_vreg.gather [hbm4b:s1+s3], $0x80, v3, vm0, $0xb8;
	[tilespmem:$0x10100] =	vst v63  }
0xbb: {  	v3 =	vld [tilespmem:$0xF0];
	_ =	sdelay $0x4  }
0xbc: {  	v15 =	vshll.u32 v3, $0x1  }
0xbd: {  	v3 =	vand.u32 $0x7, v3;
	v4 =	vand.u32 $0xFFFFFFF0, v15  }
0xbe: {  	v3 =	vor.u32 v3, v4  }
0xbf: {  	v4 =	vperm.xlane v3, v0;
	_ =	sdelay $0x1  }
0xc0: {  	v3 =	vperm.xlane v3, v2;
	v4 =	vadd.s32 v1, v4;
	_ =	sdelay $0x1  }
0xc1: {  	v3 =	vadd.s32 v1, v3;
	_ =	sdelay $0x1  }
0xc2: {  	s19 =	simm.s32 $0xF100  }
0xc3: {  	[tilespmem:s19], [sflag:$0x1] =	stream.indirect_vreg.gather [hbm4b:s1+s3], $0x80, v4, vm0, $0xb8;
	[tilespmem:$0x10100] =	vst v63  }
0xc4: {  	s20 =	simm.s32 $0xF900  }
0xc5: {  	[tilespmem:s20], [sflag:$0x1] =	stream.indirect_vreg.gather [hbm4b:s1+s3], $0x80, v3, vm0, $0xb8;
	[tilespmem:$0x10100] =	vst v63  }
0xc6: {  	_ =	swait.ge [sflag:s12], $0x10000  }
0xc7: {  	[sflag:s12] =	ssyncset.done $0x0  }
0xc8: {  	s21 =	rddreg [dreg:$0x5];
	[sflag:s12] =	ssyncadd.s32 $0xFFFF0000  }
0xc9: {  	[hbm4b:s21+s3] =	stream.linear.scatter [tilespmem:s28], [sflag:$0x2], $0x10000, $0x38;
	[tilespmem:$0x10100] =	vst v63  }
0xca: {  	_ =	swait.ge [sflag:s5], $0x10000  }
0xcb: {  	[sflag:s5] =	ssyncset.done $0x0  }
0xcc: {  	s22 =	rddreg [dreg:$0x6];
	[sflag:s5] =	ssyncadd.s32 $0xFFFF0000  }
0xcd: {  	[tilespmem:s3], [sflag:$0x2] =	stream.linear.gather [hbm4b:s22+s3], $0x100, $0x38;
	[tilespmem:$0x10100] =	vst v63  }
0xce: {  	_ =	swait.ge [sflag:s5], $0x100  }
0xcf: {  	[sflag:s5] =	ssyncset.done $0x0  }
0xd0: {  	[sflag:s5] =	ssyncadd.s32 $0xFFFFFF00  }
0xd1: {  	v3 =	vld [tilespmem:$0x0];
	_ =	sdelay $0x4  }
0xd2: {  	v16 =	vshll.u32 v3, $0x1  }
0xd3: {  	v3 =	vand.u32 $0x7, v3;
	v4 =	vand.u32 $0xFFFFFFF0, v16  }
0xd4: {  	v3 =	vor.u32 v3, v4  }
0xd5: {  	v4 =	vperm.xlane v3, v0;
	_ =	sdelay $0x1  }
0xd6: {  	v3 =	vperm.xlane v3, v2;
	v4 =	vadd.s32 v1, v4;
	_ =	sdelay $0x1  }
0xd7: {  	v3 =	vadd.s32 v1, v3;
	_ =	sdelay $0x2  }
0xd8: {  	[tilespmem:s28], [sflag:$0x1] =	stream.indirect_vreg.gather [hbm4b:s1+s3], $0x80, v4, vm0, $0xb8;
	[tilespmem:$0x10100] =	vst v63  }
0xd9: {  	s6 =	simm.s32 $0x900  }
0xda: {  	[tilespmem:s6], [sflag:$0x1] =	stream.indirect_vreg.gather [hbm4b:s1+s3], $0x80, v3, vm0, $0xb8;
	[tilespmem:$0x10100] =	vst v63  }
0xdb: {  	v3 =	vld [tilespmem:$0x10];
	_ =	sdelay $0x4  }
0xdc: {  	v17 =	vshll.u32 v3, $0x1  }
0xdd: {  	v3 =	vand.u32 $0x7, v3;
	v4 =	vand.u32 $0xFFFFFFF0, v17  }
0xde: {  	v3 =	vor.u32 v3, v4  }
0xdf: {  	v4 =	vperm.xlane v3, v0;
	_ =	sdelay $0x1  }
0xe0: {  	v3 =	vperm.xlane v3, v2;
	v4 =	vadd.s32 v1, v4;
	_ =	sdelay $0x1  }
0xe1: {  	v3 =	vadd.s32 v1, v3;
	_ =	sdelay $0x1  }
0xe2: {  	s2 =	simm.s32 $0x1100  }
0xe3: {  	[tilespmem:s2], [sflag:$0x1] =	stream.indirect_vreg.gather [hbm4b:s1+s3], $0x80, v4, vm0, $0xb8;
	[tilespmem:$0x10100] =	vst v63  }
0xe4: {  	s8 =	simm.s32 $0x1900  }
0xe5: {  	[tilespmem:s8], [sflag:$0x1] =	stream.indirect_vreg.gather [hbm4b:s1+s3], $0x80, v3, vm0, $0xb8;
	[tilespmem:$0x10100] =	vst v63  }
0xe6: {  	v3 =	vld [tilespmem:$0x20];
	_ =	sdelay $0x4  }
0xe7: {  	v18 =	vshll.u32 v3, $0x1  }
0xe8: {  	v3 =	vand.u32 $0x7, v3;
	v4 =	vand.u32 $0xFFFFFFF0, v18  }
0xe9: {  	v3 =	vor.u32 v3, v4  }
0xea: {  	v4 =	vperm.xlane v3, v0;
	_ =	sdelay $0x1  }
0xeb: {  	v3 =	vperm.xlane v3, v2;
	v4 =	vadd.s32 v1, v4;
	_ =	sdelay $0x1  }
0xec: {  	v3 =	vadd.s32 v1, v3;
	_ =	sdelay $0x1  }
0xed: {  	s6 =	simm.s32 $0x2100  }
0xee: {  	[tilespmem:s6], [sflag:$0x1] =	stream.indirect_vreg.gather [hbm4b:s1+s3], $0x80, v4, vm0, $0xb8;
	[tilespmem:$0x10100] =	vst v63  }
0xef: {  	s9 =	simm.s32 $0x2900  }
0xf0: {  	[tilespmem:s9], [sflag:$0x1] =	stream.indirect_vreg.gather [hbm4b:s1+s3], $0x80, v3, vm0, $0xb8;
	[tilespmem:$0x10100] =	vst v63  }
0xf1: {  	v3 =	vld [tilespmem:$0x30];
	_ =	sdelay $0x4  }
0xf2: {  	v19 =	vshll.u32 v3, $0x1  }
0xf3: {  	v3 =	vand.u32 $0x7, v3;
	v4 =	vand.u32 $0xFFFFFFF0, v19  }
0xf4: {  	v3 =	vor.u32 v3, v4  }
0xf5: {  	v4 =	vperm.xlane v3, v0;
	_ =	sdelay $0x1  }
0xf6: {  	v3 =	vperm.xlane v3, v2;
	v4 =	vadd.s32 v1, v4;
	_ =	sdelay $0x1  }
0xf7: {  	v3 =	vadd.s32 v1, v3;
	_ =	sdelay $0x1  }
0xf8: {  	s7 =	simm.s32 $0x3100  }
0xf9: {  	[tilespmem:s7], [sflag:$0x1] =	stream.indirect_vreg.gather [hbm4b:s1+s3], $0x80, v4, vm0, $0xb8;
	[tilespmem:$0x10100] =	vst v63  }
0xfa: {  	s10 =	simm.s32 $0x3900  }
0xfb: {  	[tilespmem:s10], [sflag:$0x1] =	stream.indirect_vreg.gather [hbm4b:s1+s3], $0x80, v3, vm0, $0xb8;
	[tilespmem:$0x10100] =	vst v63  }
0xfc: {  	v3 =	vld [tilespmem:$0x40];
	_ =	sdelay $0x4  }
0xfd: {  	v20 =	vshll.u32 v3, $0x1  }
0xfe: {  	v3 =	vand.u32 $0x7, v3;
	v4 =	vand.u32 $0xFFFFFFF0, v20  }
0xff: {  	v3 =	vor.u32 v3, v4  }
0x100: {  	v4 =	vperm.xlane v3, v0;
	_ =	sdelay $0x1  }
0x101: {  	v3 =	vperm.xlane v3, v2;
	v4 =	vadd.s32 v1, v4;
	_ =	sdelay $0x1  }
0x102: {  	v3 =	vadd.s32 v1, v3;
	_ =	sdelay $0x1  }
0x103: {  	s10 =	simm.s32 $0x4100  }
0x104: {  	[tilespmem:s10], [sflag:$0x1] =	stream.indirect_vreg.gather [hbm4b:s1+s3], $0x80, v4, vm0, $0xb8;
	[tilespmem:$0x10100] =	vst v63  }
0x105: {  	s11 =	simm.s32 $0x4900  }
0x106: {  	[tilespmem:s11], [sflag:$0x1] =	stream.indirect_vreg.gather [hbm4b:s1+s3], $0x80, v3, vm0, $0xb8;
	[tilespmem:$0x10100] =	vst v63  }
0x107: {  	v3 =	vld [tilespmem:$0x50];
	_ =	sdelay $0x4  }
0x108: {  	v21 =	vshll.u32 v3, $0x1  }
0x109: {  	v3 =	vand.u32 $0x7, v3;
	v4 =	vand.u32 $0xFFFFFFF0, v21  }
0x10a: {  	v3 =	vor.u32 v3, v4  }
0x10b: {  	v4 =	vperm.xlane v3, v0;
	_ =	sdelay $0x1  }
0x10c: {  	v3 =	vperm.xlane v3, v2;
	v4 =	vadd.s32 v1, v4;
	_ =	sdelay $0x1  }
0x10d: {  	v3 =	vadd.s32 v1, v3;
	_ =	sdelay $0x1  }
0x10e: {  	s14 =	simm.s32 $0x5100  }
0x10f: {  	[tilespmem:s14], [sflag:$0x1] =	stream.indirect_vreg.gather [hbm4b:s1+s3], $0x80, v4, vm0, $0xb8;
	[tilespmem:$0x10100] =	vst v63  }
0x110: {  	s15 =	simm.s32 $0x5900  }
0x111: {  	[tilespmem:s15], [sflag:$0x1] =	stream.indirect_vreg.gather [hbm4b:s1+s3], $0x80, v3, vm0, $0xb8;
	[tilespmem:$0x10100] =	vst v63  }
0x112: {  	v3 =	vld [tilespmem:$0x60];
	_ =	sdelay $0x4  }
0x113: {  	v22 =	vshll.u32 v3, $0x1  }
0x114: {  	v3 =	vand.u32 $0x7, v3;
	v4 =	vand.u32 $0xFFFFFFF0, v22  }
0x115: {  	v3 =	vor.u32 v3, v4  }
0x116: {  	v4 =	vperm.xlane v3, v0;
	_ =	sdelay $0x1  }
0x117: {  	v3 =	vperm.xlane v3, v2;
	v4 =	vadd.s32 v1, v4;
	_ =	sdelay $0x1  }
0x118: {  	v3 =	vadd.s32 v1, v3;
	_ =	sdelay $0x1  }
0x119: {  	s16 =	simm.s32 $0x6100  }
0x11a: {  	[tilespmem:s16], [sflag:$0x1] =	stream.indirect_vreg.gather [hbm4b:s1+s3], $0x80, v4, vm0, $0xb8;
	[tilespmem:$0x10100] =	vst v63  }
0x11b: {  	s18 =	simm.s32 $0x6900  }
0x11c: {  	[tilespmem:s18], [sflag:$0x1] =	stream.indirect_vreg.gather [hbm4b:s1+s3], $0x80, v3, vm0, $0xb8;
	[tilespmem:$0x10100] =	vst v63  }
0x11d: {  	v3 =	vld [tilespmem:$0x70];
	_ =	sdelay $0x4  }
0x11e: {  	v23 =	vshll.u32 v3, $0x1  }
0x11f: {  	v3 =	vand.u32 $0x7, v3;
	v4 =	vand.u32 $0xFFFFFFF0, v23  }
0x120: {  	v3 =	vor.u32 v3, v4  }
0x121: {  	v4 =	vperm.xlane v3, v0;
	_ =	sdelay $0x1  }
0x122: {  	v3 =	vperm.xlane v3, v2;
	v4 =	vadd.s32 v1, v4;
	_ =	sdelay $0x1  }
0x123: {  	v3 =	vadd.s32 v1, v3;
	_ =	sdelay $0x1  }
0x124: {  	s19 =	simm.s32 $0x7100  }
0x125: {  	[tilespmem:s19], [sflag:$0x1] =	stream.indirect_vreg.gather [hbm4b:s1+s3], $0x80, v4, vm0, $0xb8;
	[tilespmem:$0x10100] =	vst v63  }
0x126: {  	s20 =	simm.s32 $0x7900  }
0x127: {  	[tilespmem:s20], [sflag:$0x1] =	stream.indirect_vreg.gather [hbm4b:s1+s3], $0x80, v3, vm0, $0xb8;
	[tilespmem:$0x10100] =	vst v63  }
0x128: {  	v3 =	vld [tilespmem:$0x80];
	_ =	sdelay $0x4  }
0x129: {  	v24 =	vshll.u32 v3, $0x1  }
0x12a: {  	v3 =	vand.u32 $0x7, v3;
	v4 =	vand.u32 $0xFFFFFFF0, v24  }
0x12b: {  	v3 =	vor.u32 v3, v4  }
0x12c: {  	v4 =	vperm.xlane v3, v0;
	_ =	sdelay $0x1  }
0x12d: {  	v3 =	vperm.xlane v3, v2;
	v4 =	vadd.s32 v1, v4;
	_ =	sdelay $0x1  }
0x12e: {  	v3 =	vadd.s32 v1, v3;
	_ =	sdelay $0x1  }
0x12f: {  	s21 =	simm.s32 $0x8100  }
0x130: {  	[tilespmem:s21], [sflag:$0x1] =	stream.indirect_vreg.gather [hbm4b:s1+s3], $0x80, v4, vm0, $0xb8;
	[tilespmem:$0x10100] =	vst v63  }
0x131: {  	s22 =	simm.s32 $0x8900  }
0x132: {  	[tilespmem:s22], [sflag:$0x1] =	stream.indirect_vreg.gather [hbm4b:s1+s3], $0x80, v3, vm0, $0xb8;
	[tilespmem:$0x10100] =	vst v63  }
0x133: {  	v3 =	vld [tilespmem:$0x90];
	_ =	sdelay $0x4  }
0x134: {  	v25 =	vshll.u32 v3, $0x1  }
0x135: {  	v3 =	vand.u32 $0x7, v3;
	v4 =	vand.u32 $0xFFFFFFF0, v25  }
0x136: {  	v3 =	vor.u32 v3, v4  }
0x137: {  	v4 =	vperm.xlane v3, v0;
	_ =	sdelay $0x1  }
0x138: {  	v3 =	vperm.xlane v3, v2;
	v4 =	vadd.s32 v1, v4;
	_ =	sdelay $0x1  }
0x139: {  	v3 =	vadd.s32 v1, v3;
	_ =	sdelay $0x1  }
0x13a: {  	s0 =	simm.s32 $0x9100  }
0x13b: {  	[tilespmem:s0], [sflag:$0x1] =	stream.indirect_vreg.gather [hbm4b:s1+s3], $0x80, v4, vm0, $0xb8;
	[tilespmem:$0x10100] =	vst v63  }
0x13c: {  	s7 =	simm.s32 $0x9900  }
0x13d: {  	[tilespmem:s7], [sflag:$0x1] =	stream.indirect_vreg.gather [hbm4b:s1+s3], $0x80, v3, vm0, $0xb8;
	[tilespmem:$0x10100] =	vst v63  }
0x13e: {  	v3 =	vld [tilespmem:$0xA0];
	_ =	sdelay $0x4  }
0x13f: {  	v26 =	vshll.u32 v3, $0x1  }
0x140: {  	v3 =	vand.u32 $0x7, v3;
	v4 =	vand.u32 $0xFFFFFFF0, v26  }
0x141: {  	v3 =	vor.u32 v3, v4  }
0x142: {  	v4 =	vperm.xlane v3, v0;
	_ =	sdelay $0x1  }
0x143: {  	v3 =	vperm.xlane v3, v2;
	v4 =	vadd.s32 v1, v4;
	_ =	sdelay $0x1  }
0x144: {  	v3 =	vadd.s32 v1, v3;
	_ =	sdelay $0x1  }
0x145: {  	s2 =	simm.s32 $0xA100  }
0x146: {  	[tilespmem:s2], [sflag:$0x1] =	stream.indirect_vreg.gather [hbm4b:s1+s3], $0x80, v4, vm0, $0xb8;
	[tilespmem:$0x10100] =	vst v63  }
0x147: {  	s8 =	simm.s32 $0xA900  }
0x148: {  	[tilespmem:s8], [sflag:$0x1] =	stream.indirect_vreg.gather [hbm4b:s1+s3], $0x80, v3, vm0, $0xb8;
	[tilespmem:$0x10100] =	vst v63  }
0x149: {  	v3 =	vld [tilespmem:$0xB0];
	_ =	sdelay $0x4  }
0x14a: {  	v27 =	vshll.u32 v3, $0x1  }
0x14b: {  	v3 =	vand.u32 $0x7, v3;
	v4 =	vand.u32 $0xFFFFFFF0, v27  }
0x14c: {  	v3 =	vor.u32 v3, v4  }
0x14d: {  	v4 =	vperm.xlane v3, v0;
	_ =	sdelay $0x1  }
0x14e: {  	v3 =	vperm.xlane v3, v2;
	v4 =	vadd.s32 v1, v4;
	_ =	sdelay $0x1  }
0x14f: {  	v3 =	vadd.s32 v1, v3;
	_ =	sdelay $0x1  }
0x150: {  	s17 =	simm.s32 $0xB100  }
0x151: {  	[tilespmem:s17], [sflag:$0x1] =	stream.indirect_vreg.gather [hbm4b:s1+s3], $0x80, v4, vm0, $0xb8;
	[tilespmem:$0x10100] =	vst v63  }
0x152: {  	s17 =	simm.s32 $0xB900  }
0x153: {  	[tilespmem:s17], [sflag:$0x1] =	stream.indirect_vreg.gather [hbm4b:s1+s3], $0x80, v3, vm0, $0xb8;
	[tilespmem:$0x10100] =	vst v63  }
0x154: {  	v3 =	vld [tilespmem:$0xC0];
	_ =	sdelay $0x4  }
0x155: {  	v28 =	vshll.u32 v3, $0x1  }
0x156: {  	v3 =	vand.u32 $0x7, v3;
	v4 =	vand.u32 $0xFFFFFFF0, v28  }
0x157: {  	v3 =	vor.u32 v3, v4  }
0x158: {  	v4 =	vperm.xlane v3, v0;
	_ =	sdelay $0x1  }
0x159: {  	v3 =	vperm.xlane v3, v2;
	v4 =	vadd.s32 v1, v4;
	_ =	sdelay $0x1  }
0x15a: {  	v3 =	vadd.s32 v1, v3;
	_ =	sdelay $0x1  }
0x15b: {  	s30 =	simm.s32 $0xC100  }
0x15c: {  	[tilespmem:s30], [sflag:$0x1] =	stream.indirect_vreg.gather [hbm4b:s1+s3], $0x80, v4, vm0, $0xb8;
	[tilespmem:$0x10100] =	vst v63  }
0x15d: {  	s23 =	simm.s32 $0xC900  }
0x15e: {  	[tilespmem:s23], [sflag:$0x1] =	stream.indirect_vreg.gather [hbm4b:s1+s3], $0x80, v3, vm0, $0xb8;
	[tilespmem:$0x10100] =	vst v63  }
0x15f: {  	v3 =	vld [tilespmem:$0xD0];
	_ =	sdelay $0x4  }
0x160: {  	v29 =	vshll.u32 v3, $0x1  }
0x161: {  	v3 =	vand.u32 $0x7, v3;
	v4 =	vand.u32 $0xFFFFFFF0, v29  }
0x162: {  	v3 =	vor.u32 v3, v4  }
0x163: {  	v4 =	vperm.xlane v3, v0;
	_ =	sdelay $0x1  }
0x164: {  	v3 =	vperm.xlane v3, v2;
	v4 =	vadd.s32 v1, v4;
	_ =	sdelay $0x1  }
0x165: {  	v3 =	vadd.s32 v1, v3;
	_ =	sdelay $0x1  }
0x166: {  	s31 =	simm.s32 $0xD100  }
0x167: {  	[tilespmem:s31], [sflag:$0x1] =	stream.indirect_vreg.gather [hbm4b:s1+s3], $0x80, v4, vm0, $0xb8;
	[tilespmem:$0x10100] =	vst v63  }
0x168: {  	s24 =	simm.s32 $0xD900  }
0x169: {  	[tilespmem:s24], [sflag:$0x1] =	stream.indirect_vreg.gather [hbm4b:s1+s3], $0x80, v3, vm0, $0xb8;
	[tilespmem:$0x10100] =	vst v63  }
0x16a: {  	v3 =	vld [tilespmem:$0xE0];
	_ =	sdelay $0x4  }
0x16b: {  	v30 =	vshll.u32 v3, $0x1  }
0x16c: {  	v3 =	vand.u32 $0x7, v3;
	v4 =	vand.u32 $0xFFFFFFF0, v30  }
0x16d: {  	v3 =	vor.u32 v3, v4  }
0x16e: {  	v4 =	vperm.xlane v3, v0;
	_ =	sdelay $0x1  }
0x16f: {  	v3 =	vperm.xlane v3, v2;
	v4 =	vadd.s32 v1, v4;
	_ =	sdelay $0x1  }
0x170: {  	v3 =	vadd.s32 v1, v3;
	_ =	sdelay $0x1  }
0x171: {  	s24 =	simm.s32 $0xE100  }
0x172: {  	[tilespmem:s24], [sflag:$0x1] =	stream.indirect_vreg.gather [hbm4b:s1+s3], $0x80, v4, vm0, $0xb8;
	[tilespmem:$0x10100] =	vst v63  }
0x173: {  	s25 =	simm.s32 $0xE900  }
0x174: {  	[tilespmem:s25], [sflag:$0x1] =	stream.indirect_vreg.gather [hbm4b:s1+s3], $0x80, v3, vm0, $0xb8;
	[tilespmem:$0x10100] =	vst v63  }
0x175: {  	v3 =	vld [tilespmem:$0xF0];
	_ =	sdelay $0x4  }
0x176: {  	v31 =	vshll.u32 v3, $0x1  }
0x177: {  	v3 =	vand.u32 $0x7, v3;
	v4 =	vand.u32 $0xFFFFFFF0, v31  }
0x178: {  	v3 =	vor.u32 v3, v4  }
0x179: {  	v4 =	vperm.xlane v3, v0;
	_ =	sdelay $0x1  }
0x17a: {  	v3 =	vperm.xlane v3, v2;
	v4 =	vadd.s32 v1, v4;
	_ =	sdelay $0x1  }
0x17b: {  	v3 =	vadd.s32 v1, v3;
	_ =	sdelay $0x1  }
0x17c: {  	s25 =	simm.s32 $0xF100  }
0x17d: {  	[tilespmem:s25], [sflag:$0x1] =	stream.indirect_vreg.gather [hbm4b:s1+s3], $0x80, v4, vm0, $0xb8;
	[tilespmem:$0x10100] =	vst v63  }
0x17e: {  	s26 =	simm.s32 $0xF900  }
0x17f: {  	[tilespmem:s26], [sflag:$0x1] =	stream.indirect_vreg.gather [hbm4b:s1+s3], $0x80, v3, vm0, $0xb8;
	[tilespmem:$0x10100] =	vst v63  }
0x180: {  	_ =	swait.ge [sflag:s12], $0x10000  }
0x181: {  	[sflag:s12] =	ssyncset.done $0x0  }
0x182: {  	s26 =	rddreg [dreg:$0x7];
	[sflag:s12] =	ssyncadd.s32 $0xFFFF0000  }
0x183: {  	[hbm4b:s26+s3] =	stream.linear.scatter [tilespmem:s28], [sflag:$0x2], $0x10000, $0x38;
	[tilespmem:$0x10100] =	vst v63  }
0x184: {  	_ =	swait.ge [sflag:s5], $0x10000  }
0x185: {  	[sflag:s5] =	ssyncset.done $0x0  }
0x186: {  	s23 =	rddreg [dreg:$0x8];
	[sflag:s5] =	ssyncadd.s32 $0xFFFF0000  }
0x187: {  	[tilespmem:s3], [sflag:$0x2] =	stream.linear.gather [hbm4b:s23+s3], $0x100, $0x38;
	[tilespmem:$0x10100] =	vst v63  }
0x188: {  	_ =	swait.ge [sflag:s5], $0x100  }
0x189: {  	[sflag:s5] =	ssyncset.done $0x0  }
0x18a: {  	[sflag:s5] =	ssyncadd.s32 $0xFFFFFF00  }
0x18b: {  	v3 =	vld [tilespmem:$0x0];
	_ =	sdelay $0x4  }
0x18c: {  	v32 =	vshll.u32 v3, $0x1  }
0x18d: {  	v3 =	vand.u32 $0x7, v3;
	v4 =	vand.u32 $0xFFFFFFF0, v32  }
0x18e: {  	v3 =	vor.u32 v3, v4  }
0x18f: {  	v4 =	vperm.xlane v3, v0;
	_ =	sdelay $0x1  }
0x190: {  	v3 =	vperm.xlane v3, v2;
	v4 =	vadd.s32 v1, v4;
	_ =	sdelay $0x1  }
0x191: {  	v3 =	vadd.s32 v1, v3;
	_ =	sdelay $0x2  }
0x192: {  	[tilespmem:s28], [sflag:$0x1] =	stream.indirect_vreg.gather [hbm4b:s1+s3], $0x80, v4, vm0, $0xb8;
	[tilespmem:$0x10100] =	vst v63  }
0x193: {  	s25 =	simm.s32 $0x900  }
0x194: {  	[tilespmem:s25], [sflag:$0x1] =	stream.indirect_vreg.gather [hbm4b:s1+s3], $0x80, v3, vm0, $0xb8;
	[tilespmem:$0x10100] =	vst v63  }
0x195: {  	v3 =	vld [tilespmem:$0x10];
	_ =	sdelay $0x4  }
0x196: {  	v33 =	vshll.u32 v3, $0x1  }
0x197: {  	v3 =	vand.u32 $0x7, v3;
	v4 =	vand.u32 $0xFFFFFFF0, v33  }
0x198: {  	v3 =	vor.u32 v3, v4  }
0x199: {  	v4 =	vperm.xlane v3, v0;
	_ =	sdelay $0x1  }
0x19a: {  	v3 =	vperm.xlane v3, v2;
	v4 =	vadd.s32 v1, v4;
	_ =	sdelay $0x1  }
0x19b: {  	v3 =	vadd.s32 v1, v3;
	_ =	sdelay $0x1  }
0x19c: {  	s26 =	simm.s32 $0x1100  }
0x19d: {  	[tilespmem:s26], [sflag:$0x1] =	stream.indirect_vreg.gather [hbm4b:s1+s3], $0x80, v4, vm0, $0xb8;
	[tilespmem:$0x10100] =	vst v63  }
0x19e: {  	s23 =	simm.s32 $0x1900  }
0x19f: {  	[tilespmem:s23], [sflag:$0x1] =	stream.indirect_vreg.gather [hbm4b:s1+s3], $0x80, v3, vm0, $0xb8;
	[tilespmem:$0x10100] =	vst v63  }
0x1a0: {  	v3 =	vld [tilespmem:$0x20];
	_ =	sdelay $0x4  }
0x1a1: {  	v34 =	vshll.u32 v3, $0x1  }
0x1a2: {  	v3 =	vand.u32 $0x7, v3;
	v4 =	vand.u32 $0xFFFFFFF0, v34  }
0x1a3: {  	v3 =	vor.u32 v3, v4  }
0x1a4: {  	v4 =	vperm.xlane v3, v0;
	_ =	sdelay $0x1  }
0x1a5: {  	v3 =	vperm.xlane v3, v2;
	v4 =	vadd.s32 v1, v4;
	_ =	sdelay $0x1  }
0x1a6: {  	v3 =	vadd.s32 v1, v3;
	_ =	sdelay $0x2  }
0x1a7: {  	[tilespmem:s6], [sflag:$0x1] =	stream.indirect_vreg.gather [hbm4b:s1+s3], $0x80, v4, vm0, $0xb8;
	[tilespmem:$0x10100] =	vst v63  }
0x1a8: {  	_ = 	snop  }
0x1a9: {  	[tilespmem:s9], [sflag:$0x1] =	stream.indirect_vreg.gather [hbm4b:s1+s3], $0x80, v3, vm0, $0xb8;
	[tilespmem:$0x10100] =	vst v63  }
0x1aa: {  	v3 =	vld [tilespmem:$0x30];
	_ =	sdelay $0x4  }
0x1ab: {  	v35 =	vshll.u32 v3, $0x1  }
0x1ac: {  	v3 =	vand.u32 $0x7, v3;
	v4 =	vand.u32 $0xFFFFFFF0, v35  }
0x1ad: {  	v3 =	vor.u32 v3, v4  }
0x1ae: {  	v4 =	vperm.xlane v3, v0;
	_ =	sdelay $0x1  }
0x1af: {  	v3 =	vperm.xlane v3, v2;
	v4 =	vadd.s32 v1, v4;
	_ =	sdelay $0x1  }
0x1b0: {  	v3 =	vadd.s32 v1, v3;
	_ =	sdelay $0x1  }
0x1b1: {  	s25 =	simm.s32 $0x3100  }
0x1b2: {  	[tilespmem:s25], [sflag:$0x1] =	stream.indirect_vreg.gather [hbm4b:s1+s3], $0x80, v4, vm0, $0xb8;
	[tilespmem:$0x10100] =	vst v63  }
0x1b3: {  	s26 =	simm.s32 $0x3900  }
0x1b4: {  	[tilespmem:s26], [sflag:$0x1] =	stream.indirect_vreg.gather [hbm4b:s1+s3], $0x80, v3, vm0, $0xb8;
	[tilespmem:$0x10100] =	vst v63  }
0x1b5: {  	v3 =	vld [tilespmem:$0x40];
	_ =	sdelay $0x4  }
0x1b6: {  	v36 =	vshll.u32 v3, $0x1  }
0x1b7: {  	v3 =	vand.u32 $0x7, v3;
	v4 =	vand.u32 $0xFFFFFFF0, v36  }
0x1b8: {  	v3 =	vor.u32 v3, v4  }
0x1b9: {  	v4 =	vperm.xlane v3, v0;
	_ =	sdelay $0x1  }
0x1ba: {  	v3 =	vperm.xlane v3, v2;
	v4 =	vadd.s32 v1, v4;
	_ =	sdelay $0x1  }
0x1bb: {  	v3 =	vadd.s32 v1, v3;
	_ =	sdelay $0x2  }
0x1bc: {  	[tilespmem:s10], [sflag:$0x1] =	stream.indirect_vreg.gather [hbm4b:s1+s3], $0x80, v4, vm0, $0xb8;
	[tilespmem:$0x10100] =	vst v63  }
0x1bd: {  	_ = 	snop  }
0x1be: {  	[tilespmem:s11], [sflag:$0x1] =	stream.indirect_vreg.gather [hbm4b:s1+s3], $0x80, v3, vm0, $0xb8;
	[tilespmem:$0x10100] =	vst v63  }
0x1bf: {  	v3 =	vld [tilespmem:$0x50];
	_ =	sdelay $0x4  }
0x1c0: {  	v37 =	vshll.u32 v3, $0x1  }
0x1c1: {  	v3 =	vand.u32 $0x7, v3;
	v4 =	vand.u32 $0xFFFFFFF0, v37  }
0x1c2: {  	v3 =	vor.u32 v3, v4  }
0x1c3: {  	v4 =	vperm.xlane v3, v0;
	_ =	sdelay $0x1  }
0x1c4: {  	v3 =	vperm.xlane v3, v2;
	v4 =	vadd.s32 v1, v4;
	_ =	sdelay $0x1  }
0x1c5: {  	v3 =	vadd.s32 v1, v3;
	_ =	sdelay $0x2  }
0x1c6: {  	[tilespmem:s14], [sflag:$0x1] =	stream.indirect_vreg.gather [hbm4b:s1+s3], $0x80, v4, vm0, $0xb8;
	[tilespmem:$0x10100] =	vst v63  }
0x1c7: {  	_ = 	snop  }
0x1c8: {  	[tilespmem:s15], [sflag:$0x1] =	stream.indirect_vreg.gather [hbm4b:s1+s3], $0x80, v3, vm0, $0xb8;
	[tilespmem:$0x10100] =	vst v63  }
0x1c9: {  	v3 =	vld [tilespmem:$0x60];
	_ =	sdelay $0x4  }
0x1ca: {  	v38 =	vshll.u32 v3, $0x1  }
0x1cb: {  	v3 =	vand.u32 $0x7, v3;
	v4 =	vand.u32 $0xFFFFFFF0, v38  }
0x1cc: {  	v3 =	vor.u32 v3, v4  }
0x1cd: {  	v4 =	vperm.xlane v3, v0;
	_ =	sdelay $0x1  }
0x1ce: {  	v3 =	vperm.xlane v3, v2;
	v4 =	vadd.s32 v1, v4;
	_ =	sdelay $0x1  }
0x1cf: {  	v3 =	vadd.s32 v1, v3;
	_ =	sdelay $0x2  }
0x1d0: {  	[tilespmem:s16], [sflag:$0x1] =	stream.indirect_vreg.gather [hbm4b:s1+s3], $0x80, v4, vm0, $0xb8;
	[tilespmem:$0x10100] =	vst v63  }
0x1d1: {  	_ = 	snop  }
0x1d2: {  	[tilespmem:s18], [sflag:$0x1] =	stream.indirect_vreg.gather [hbm4b:s1+s3], $0x80, v3, vm0, $0xb8;
	[tilespmem:$0x10100] =	vst v63  }
0x1d3: {  	v3 =	vld [tilespmem:$0x70];
	_ =	sdelay $0x4  }
0x1d4: {  	v39 =	vshll.u32 v3, $0x1  }
0x1d5: {  	v3 =	vand.u32 $0x7, v3;
	v4 =	vand.u32 $0xFFFFFFF0, v39  }
0x1d6: {  	v3 =	vor.u32 v3, v4  }
0x1d7: {  	v4 =	vperm.xlane v3, v0;
	_ =	sdelay $0x1  }
0x1d8: {  	v3 =	vperm.xlane v3, v2;
	v4 =	vadd.s32 v1, v4;
	_ =	sdelay $0x1  }
0x1d9: {  	v3 =	vadd.s32 v1, v3;
	_ =	sdelay $0x2  }
0x1da: {  	[tilespmem:s19], [sflag:$0x1] =	stream.indirect_vreg.gather [hbm4b:s1+s3], $0x80, v4, vm0, $0xb8;
	[tilespmem:$0x10100] =	vst v63  }
0x1db: {  	_ = 	snop  }
0x1dc: {  	[tilespmem:s20], [sflag:$0x1] =	stream.indirect_vreg.gather [hbm4b:s1+s3], $0x80, v3, vm0, $0xb8;
	[tilespmem:$0x10100] =	vst v63  }
0x1dd: {  	v3 =	vld [tilespmem:$0x80];
	_ =	sdelay $0x4  }
0x1de: {  	v40 =	vshll.u32 v3, $0x1  }
0x1df: {  	v3 =	vand.u32 $0x7, v3;
	v4 =	vand.u32 $0xFFFFFFF0, v40  }
0x1e0: {  	v3 =	vor.u32 v3, v4  }
0x1e1: {  	v4 =	vperm.xlane v3, v0;
	_ =	sdelay $0x1  }
0x1e2: {  	v3 =	vperm.xlane v3, v2;
	v4 =	vadd.s32 v1, v4;
	_ =	sdelay $0x1  }
0x1e3: {  	v3 =	vadd.s32 v1, v3;
	_ =	sdelay $0x2  }
0x1e4: {  	[tilespmem:s21], [sflag:$0x1] =	stream.indirect_vreg.gather [hbm4b:s1+s3], $0x80, v4, vm0, $0xb8;
	[tilespmem:$0x10100] =	vst v63  }
0x1e5: {  	_ = 	snop  }
0x1e6: {  	[tilespmem:s22], [sflag:$0x1] =	stream.indirect_vreg.gather [hbm4b:s1+s3], $0x80, v3, vm0, $0xb8;
	[tilespmem:$0x10100] =	vst v63  }
0x1e7: {  	v3 =	vld [tilespmem:$0x90];
	_ =	sdelay $0x4  }
0x1e8: {  	v41 =	vshll.u32 v3, $0x1  }
0x1e9: {  	v3 =	vand.u32 $0x7, v3;
	v4 =	vand.u32 $0xFFFFFFF0, v41  }
0x1ea: {  	v3 =	vor.u32 v3, v4  }
0x1eb: {  	v4 =	vperm.xlane v3, v0;
	_ =	sdelay $0x1  }
0x1ec: {  	v3 =	vperm.xlane v3, v2;
	v4 =	vadd.s32 v1, v4;
	_ =	sdelay $0x1  }
0x1ed: {  	v3 =	vadd.s32 v1, v3;
	_ =	sdelay $0x2  }
0x1ee: {  	[tilespmem:s0], [sflag:$0x1] =	stream.indirect_vreg.gather [hbm4b:s1+s3], $0x80, v4, vm0, $0xb8;
	[tilespmem:$0x10100] =	vst v63  }
0x1ef: {  	_ = 	snop  }
0x1f0: {  	[tilespmem:s7], [sflag:$0x1] =	stream.indirect_vreg.gather [hbm4b:s1+s3], $0x80, v3, vm0, $0xb8;
	[tilespmem:$0x10100] =	vst v63  }
0x1f1: {  	v3 =	vld [tilespmem:$0xA0];
	_ =	sdelay $0x4  }
0x1f2: {  	v42 =	vshll.u32 v3, $0x1  }
0x1f3: {  	v3 =	vand.u32 $0x7, v3;
	v4 =	vand.u32 $0xFFFFFFF0, v42  }
0x1f4: {  	v3 =	vor.u32 v3, v4  }
0x1f5: {  	v4 =	vperm.xlane v3, v0;
	_ =	sdelay $0x1  }
0x1f6: {  	v3 =	vperm.xlane v3, v2;
	v4 =	vadd.s32 v1, v4;
	_ =	sdelay $0x1  }
0x1f7: {  	v3 =	vadd.s32 v1, v3;
	_ =	sdelay $0x2  }
0x1f8: {  	[tilespmem:s2], [sflag:$0x1] =	stream.indirect_vreg.gather [hbm4b:s1+s3], $0x80, v4, vm0, $0xb8;
	[tilespmem:$0x10100] =	vst v63  }
0x1f9: {  	_ = 	snop  }
0x1fa: {  	[tilespmem:s8], [sflag:$0x1] =	stream.indirect_vreg.gather [hbm4b:s1+s3], $0x80, v3, vm0, $0xb8;
	[tilespmem:$0x10100] =	vst v63  }
0x1fb: {  	v3 =	vld [tilespmem:$0xB0];
	_ =	sdelay $0x4  }
0x1fc: {  	v43 =	vshll.u32 v3, $0x1  }
0x1fd: {  	v3 =	vand.u32 $0x7, v3;
	v4 =	vand.u32 $0xFFFFFFF0, v43  }
0x1fe: {  	v3 =	vor.u32 v3, v4  }
0x1ff: {  	v4 =	vperm.xlane v3, v0;
	_ =	sdelay $0x1  }
0x200: {  	v3 =	vperm.xlane v3, v2;
	v4 =	vadd.s32 v1, v4;
	_ =	sdelay $0x1  }
0x201: {  	v3 =	vadd.s32 v1, v3;
	_ =	sdelay $0x1  }
0x202: {  	s29 =	simm.s32 $0xB100  }
0x203: {  	[tilespmem:s29], [sflag:$0x1] =	stream.indirect_vreg.gather [hbm4b:s1+s3], $0x80, v4, vm0, $0xb8;
	[tilespmem:$0x10100] =	vst v63  }
0x204: {  	_ = 	snop  }
0x205: {  	[tilespmem:s17], [sflag:$0x1] =	stream.indirect_vreg.gather [hbm4b:s1+s3], $0x80, v3, vm0, $0xb8;
	[tilespmem:$0x10100] =	vst v63  }
0x206: {  	v3 =	vld [tilespmem:$0xC0];
	_ =	sdelay $0x4  }
0x207: {  	v44 =	vshll.u32 v3, $0x1  }
0x208: {  	v3 =	vand.u32 $0x7, v3;
	v4 =	vand.u32 $0xFFFFFFF0, v44  }
0x209: {  	v3 =	vor.u32 v3, v4  }
0x20a: {  	v4 =	vperm.xlane v3, v0;
	_ =	sdelay $0x1  }
0x20b: {  	v3 =	vperm.xlane v3, v2;
	v4 =	vadd.s32 v1, v4;
	_ =	sdelay $0x1  }
0x20c: {  	v3 =	vadd.s32 v1, v3;
	_ =	sdelay $0x1  }
0x20d: {  	s29 =	simm.s32 $0xC100  }
0x20e: {  	[tilespmem:s29], [sflag:$0x1] =	stream.indirect_vreg.gather [hbm4b:s1+s3], $0x80, v4, vm0, $0xb8;
	[tilespmem:$0x10100] =	vst v63  }
0x20f: {  	s30 =	simm.s32 $0xC900  }
0x210: {  	[tilespmem:s30], [sflag:$0x1] =	stream.indirect_vreg.gather [hbm4b:s1+s3], $0x80, v3, vm0, $0xb8;
	[tilespmem:$0x10100] =	vst v63  }
0x211: {  	v3 =	vld [tilespmem:$0xD0];
	_ =	sdelay $0x4  }
0x212: {  	v45 =	vshll.u32 v3, $0x1  }
0x213: {  	v3 =	vand.u32 $0x7, v3;
	v4 =	vand.u32 $0xFFFFFFF0, v45  }
0x214: {  	v3 =	vor.u32 v3, v4  }
0x215: {  	v4 =	vperm.xlane v3, v0;
	_ =	sdelay $0x1  }
0x216: {  	v3 =	vperm.xlane v3, v2;
	v4 =	vadd.s32 v1, v4;
	_ =	sdelay $0x1  }
0x217: {  	v3 =	vadd.s32 v1, v3;
	_ =	sdelay $0x1  }
0x218: {  	s31 =	simm.s32 $0xD100  }
0x219: {  	[tilespmem:s31], [sflag:$0x1] =	stream.indirect_vreg.gather [hbm4b:s1+s3], $0x80, v4, vm0, $0xb8;
	[tilespmem:$0x10100] =	vst v63  }
0x21a: {  	s17 =	simm.s32 $0xD900  }
0x21b: {  	[tilespmem:s17], [sflag:$0x1] =	stream.indirect_vreg.gather [hbm4b:s1+s3], $0x80, v3, vm0, $0xb8;
	[tilespmem:$0x10100] =	vst v63  }
0x21c: {  	v3 =	vld [tilespmem:$0xE0];
	_ =	sdelay $0x4  }
0x21d: {  	v46 =	vshll.u32 v3, $0x1  }
0x21e: {  	v3 =	vand.u32 $0x7, v3;
	v4 =	vand.u32 $0xFFFFFFF0, v46  }
0x21f: {  	v3 =	vor.u32 v3, v4  }
0x220: {  	v4 =	vperm.xlane v3, v0;
	_ =	sdelay $0x1  }
0x221: {  	v3 =	vperm.xlane v3, v2;
	v4 =	vadd.s32 v1, v4;
	_ =	sdelay $0x1  }
0x222: {  	v3 =	vadd.s32 v1, v3;
	_ =	sdelay $0x1  }
0x223: {  	s31 =	simm.s32 $0xE100  }
0x224: {  	[tilespmem:s31], [sflag:$0x1] =	stream.indirect_vreg.gather [hbm4b:s1+s3], $0x80, v4, vm0, $0xb8;
	[tilespmem:$0x10100] =	vst v63  }
0x225: {  	s17 =	simm.s32 $0xE900  }
0x226: {  	[tilespmem:s17], [sflag:$0x1] =	stream.indirect_vreg.gather [hbm4b:s1+s3], $0x80, v3, vm0, $0xb8;
	[tilespmem:$0x10100] =	vst v63  }
0x227: {  	v3 =	vld [tilespmem:$0xF0];
	_ =	sdelay $0x4  }
0x228: {  	v47 =	vshll.u32 v3, $0x1  }
0x229: {  	v3 =	vand.u32 $0x7, v3;
	v4 =	vand.u32 $0xFFFFFFF0, v47  }
0x22a: {  	v3 =	vor.u32 v3, v4  }
0x22b: {  	v4 =	vperm.xlane v3, v0;
	_ =	sdelay $0x1  }
0x22c: {  	v3 =	vperm.xlane v3, v2;
	v4 =	vadd.s32 v1, v4;
	_ =	sdelay $0x1  }
0x22d: {  	v3 =	vadd.s32 v1, v3;
	_ =	sdelay $0x1  }
0x22e: {  	s24 =	simm.s32 $0xF100  }
0x22f: {  	[tilespmem:s24], [sflag:$0x1] =	stream.indirect_vreg.gather [hbm4b:s1+s3], $0x80, v4, vm0, $0xb8;
	[tilespmem:$0x10100] =	vst v63  }
0x230: {  	s24 =	simm.s32 $0xF900  }
0x231: {  	[tilespmem:s24], [sflag:$0x1] =	stream.indirect_vreg.gather [hbm4b:s1+s3], $0x80, v3, vm0, $0xb8;
	[tilespmem:$0x10100] =	vst v63  }
0x232: {  	_ =	swait.ge [sflag:s12], $0x10000  }
0x233: {  	[sflag:s12] =	ssyncset.done $0x0  }
0x234: {  	s13 =	rddreg [dreg:$0x9];
	[sflag:s12] =	ssyncadd.s32 $0xFFFF0000  }
0x235: {  	[hbm4b:s13+s3] =	stream.linear.scatter [tilespmem:s28], [sflag:$0x2], $0x10000, $0x38;
	[tilespmem:$0x10100] =	vst v63  }
0x236: {  	_ =	swait.ge [sflag:s5], $0x10000  }
0x237: {  	[sflag:s5] =	ssyncset.done $0x0  }
0x238: {  	s13 =	rddreg [dreg:$0xa];
	[sflag:s5] =	ssyncadd.s32 $0xFFFF0000  }
0x239: {  	[tilespmem:s3], [sflag:$0x2] =	stream.linear.gather [hbm4b:s13+s3], $0x100, $0x38;
	[tilespmem:$0x10100] =	vst v63  }
0x23a: {  	_ =	swait.ge [sflag:s5], $0x100  }
0x23b: {  	[sflag:s5] =	ssyncset.done $0x0  }
0x23c: {  	[sflag:s5] =	ssyncadd.s32 $0xFFFFFF00  }
0x23d: {  	v3 =	vld [tilespmem:$0x0];
	_ =	sdelay $0x4  }
0x23e: {  	v48 =	vshll.u32 v3, $0x1  }
0x23f: {  	v3 =	vand.u32 $0x7, v3;
	v4 =	vand.u32 $0xFFFFFFF0, v48  }
0x240: {  	v3 =	vor.u32 v3, v4  }
0x241: {  	v4 =	vperm.xlane v3, v0;
	_ =	sdelay $0x1  }
0x242: {  	v3 =	vperm.xlane v3, v2;
	v4 =	vadd.s32 v1, v4;
	_ =	sdelay $0x1  }
0x243: {  	v3 =	vadd.s32 v1, v3;
	_ =	sdelay $0x2  }
0x244: {  	[tilespmem:s28], [sflag:$0x1] =	stream.indirect_vreg.gather [hbm4b:s1+s3], $0x80, v4, vm0, $0xb8;
	[tilespmem:$0x10100] =	vst v63  }
0x245: {  	s13 =	simm.s32 $0x900  }
0x246: {  	[tilespmem:s13], [sflag:$0x1] =	stream.indirect_vreg.gather [hbm4b:s1+s3], $0x80, v3, vm0, $0xb8;
	[tilespmem:$0x10100] =	vst v63  }
0x247: {  	v3 =	vld [tilespmem:$0x10];
	_ =	sdelay $0x4  }
0x248: {  	v49 =	vshll.u32 v3, $0x1  }
0x249: {  	v3 =	vand.u32 $0x7, v3;
	v4 =	vand.u32 $0xFFFFFFF0, v49  }
0x24a: {  	v3 =	vor.u32 v3, v4  }
0x24b: {  	v4 =	vperm.xlane v3, v0;
	_ =	sdelay $0x1  }
0x24c: {  	v3 =	vperm.xlane v3, v2;
	v4 =	vadd.s32 v1, v4;
	_ =	sdelay $0x1  }
0x24d: {  	v3 =	vadd.s32 v1, v3;
	_ =	sdelay $0x1  }
0x24e: {  	s13 =	simm.s32 $0x1100  }
0x24f: {  	[tilespmem:s13], [sflag:$0x1] =	stream.indirect_vreg.gather [hbm4b:s1+s3], $0x80, v4, vm0, $0xb8;
	[tilespmem:$0x10100] =	vst v63  }
0x250: {  	s13 =	simm.s32 $0x1900  }
0x251: {  	[tilespmem:s13], [sflag:$0x1] =	stream.indirect_vreg.gather [hbm4b:s1+s3], $0x80, v3, vm0, $0xb8;
	[tilespmem:$0x10100] =	vst v63  }
0x252: {  	v3 =	vld [tilespmem:$0x20];
	_ =	sdelay $0x4  }
0x253: {  	v50 =	vshll.u32 v3, $0x1  }
0x254: {  	v3 =	vand.u32 $0x7, v3;
	v4 =	vand.u32 $0xFFFFFFF0, v50  }
0x255: {  	v3 =	vor.u32 v3, v4  }
0x256: {  	v4 =	vperm.xlane v3, v0;
	_ =	sdelay $0x1  }
0x257: {  	v3 =	vperm.xlane v3, v2;
	v4 =	vadd.s32 v1, v4;
	_ =	sdelay $0x1  }
0x258: {  	v3 =	vadd.s32 v1, v3;
	_ =	sdelay $0x1  }
0x259: {  	s6 =	simm.s32 $0x2100  }
0x25a: {  	[tilespmem:s6], [sflag:$0x1] =	stream.indirect_vreg.gather [hbm4b:s1+s3], $0x80, v4, vm0, $0xb8;
	[tilespmem:$0x10100] =	vst v63  }
0x25b: {  	s9 =	simm.s32 $0x2900  }
0x25c: {  	[tilespmem:s9], [sflag:$0x1] =	stream.indirect_vreg.gather [hbm4b:s1+s3], $0x80, v3, vm0, $0xb8;
	[tilespmem:$0x10100] =	vst v63  }
0x25d: {  	v3 =	vld [tilespmem:$0x30];
	_ =	sdelay $0x4  }
0x25e: {  	v51 =	vshll.u32 v3, $0x1  }
0x25f: {  	v3 =	vand.u32 $0x7, v3;
	v4 =	vand.u32 $0xFFFFFFF0, v51  }
0x260: {  	v3 =	vor.u32 v3, v4  }
0x261: {  	v4 =	vperm.xlane v3, v0;
	_ =	sdelay $0x1  }
0x262: {  	v3 =	vperm.xlane v3, v2;
	v4 =	vadd.s32 v1, v4;
	_ =	sdelay $0x1  }
0x263: {  	v3 =	vadd.s32 v1, v3;
	_ =	sdelay $0x1  }
0x264: {  	s9 =	simm.s32 $0x3100  }
0x265: {  	[tilespmem:s9], [sflag:$0x1] =	stream.indirect_vreg.gather [hbm4b:s1+s3], $0x80, v4, vm0, $0xb8;
	[tilespmem:$0x10100] =	vst v63  }
0x266: {  	s13 =	simm.s32 $0x3900  }
0x267: {  	[tilespmem:s13], [sflag:$0x1] =	stream.indirect_vreg.gather [hbm4b:s1+s3], $0x80, v3, vm0, $0xb8;
	[tilespmem:$0x10100] =	vst v63  }
0x268: {  	v3 =	vld [tilespmem:$0x40];
	_ =	sdelay $0x4  }
0x269: {  	v52 =	vshll.u32 v3, $0x1  }
0x26a: {  	v3 =	vand.u32 $0x7, v3;
	v4 =	vand.u32 $0xFFFFFFF0, v52  }
0x26b: {  	v3 =	vor.u32 v3, v4  }
0x26c: {  	v4 =	vperm.xlane v3, v0;
	_ =	sdelay $0x1  }
0x26d: {  	v3 =	vperm.xlane v3, v2;
	v4 =	vadd.s32 v1, v4;
	_ =	sdelay $0x1  }
0x26e: {  	v3 =	vadd.s32 v1, v3;
	_ =	sdelay $0x1  }
0x26f: {  	s26 =	simm.s32 $0x4100  }
0x270: {  	[tilespmem:s26], [sflag:$0x1] =	stream.indirect_vreg.gather [hbm4b:s1+s3], $0x80, v4, vm0, $0xb8;
	[tilespmem:$0x10100] =	vst v63  }
0x271: {  	s11 =	simm.s32 $0x4900  }
0x272: {  	[tilespmem:s11], [sflag:$0x1] =	stream.indirect_vreg.gather [hbm4b:s1+s3], $0x80, v3, vm0, $0xb8;
	[tilespmem:$0x10100] =	vst v63  }
0x273: {  	v3 =	vld [tilespmem:$0x50];
	_ =	sdelay $0x4  }
0x274: {  	v53 =	vshll.u32 v3, $0x1  }
0x275: {  	v3 =	vand.u32 $0x7, v3;
	v4 =	vand.u32 $0xFFFFFFF0, v53  }
0x276: {  	v3 =	vor.u32 v3, v4  }
0x277: {  	v4 =	vperm.xlane v3, v0;
	_ =	sdelay $0x1  }
0x278: {  	v3 =	vperm.xlane v3, v2;
	v4 =	vadd.s32 v1, v4;
	_ =	sdelay $0x1  }
0x279: {  	v3 =	vadd.s32 v1, v3;
	_ =	sdelay $0x1  }
0x27a: {  	s14 =	simm.s32 $0x5100  }
0x27b: {  	[tilespmem:s14], [sflag:$0x1] =	stream.indirect_vreg.gather [hbm4b:s1+s3], $0x80, v4, vm0, $0xb8;
	[tilespmem:$0x10100] =	vst v63  }
0x27c: {  	s15 =	simm.s32 $0x5900  }
0x27d: {  	[tilespmem:s15], [sflag:$0x1] =	stream.indirect_vreg.gather [hbm4b:s1+s3], $0x80, v3, vm0, $0xb8;
	[tilespmem:$0x10100] =	vst v63  }
0x27e: {  	v3 =	vld [tilespmem:$0x60];
	_ =	sdelay $0x4  }
0x27f: {  	v54 =	vshll.u32 v3, $0x1  }
0x280: {  	v3 =	vand.u32 $0x7, v3;
	v4 =	vand.u32 $0xFFFFFFF0, v54  }
0x281: {  	v3 =	vor.u32 v3, v4  }
0x282: {  	v4 =	vperm.xlane v3, v0;
	_ =	sdelay $0x1  }
0x283: {  	v3 =	vperm.xlane v3, v2;
	v4 =	vadd.s32 v1, v4;
	_ =	sdelay $0x1  }
0x284: {  	v3 =	vadd.s32 v1, v3;
	_ =	sdelay $0x1  }
0x285: {  	s16 =	simm.s32 $0x6100  }
0x286: {  	[tilespmem:s16], [sflag:$0x1] =	stream.indirect_vreg.gather [hbm4b:s1+s3], $0x80, v4, vm0, $0xb8;
	[tilespmem:$0x10100] =	vst v63  }
0x287: {  	s18 =	simm.s32 $0x6900  }
0x288: {  	[tilespmem:s18], [sflag:$0x1] =	stream.indirect_vreg.gather [hbm4b:s1+s3], $0x80, v3, vm0, $0xb8;
	[tilespmem:$0x10100] =	vst v63  }
0x289: {  	v3 =	vld [tilespmem:$0x70];
	_ =	sdelay $0x4  }
0x28a: {  	v55 =	vshll.u32 v3, $0x1  }
0x28b: {  	v3 =	vand.u32 $0x7, v3;
	v4 =	vand.u32 $0xFFFFFFF0, v55  }
0x28c: {  	v3 =	vor.u32 v3, v4  }
0x28d: {  	v4 =	vperm.xlane v3, v0;
	_ =	sdelay $0x1  }
0x28e: {  	v3 =	vperm.xlane v3, v2;
	v4 =	vadd.s32 v1, v4;
	_ =	sdelay $0x1  }
0x28f: {  	v3 =	vadd.s32 v1, v3;
	_ =	sdelay $0x1  }
0x290: {  	s19 =	simm.s32 $0x7100  }
0x291: {  	[tilespmem:s19], [sflag:$0x1] =	stream.indirect_vreg.gather [hbm4b:s1+s3], $0x80, v4, vm0, $0xb8;
	[tilespmem:$0x10100] =	vst v63  }
0x292: {  	s20 =	simm.s32 $0x7900  }
0x293: {  	[tilespmem:s20], [sflag:$0x1] =	stream.indirect_vreg.gather [hbm4b:s1+s3], $0x80, v3, vm0, $0xb8;
	[tilespmem:$0x10100] =	vst v63  }
0x294: {  	v3 =	vld [tilespmem:$0x80];
	_ =	sdelay $0x4  }
0x295: {  	v56 =	vshll.u32 v3, $0x1  }
0x296: {  	v3 =	vand.u32 $0x7, v3;
	v4 =	vand.u32 $0xFFFFFFF0, v56  }
0x297: {  	v3 =	vor.u32 v3, v4  }
0x298: {  	v4 =	vperm.xlane v3, v0;
	_ =	sdelay $0x1  }
0x299: {  	v3 =	vperm.xlane v3, v2;
	v4 =	vadd.s32 v1, v4;
	_ =	sdelay $0x1  }
0x29a: {  	v3 =	vadd.s32 v1, v3;
	_ =	sdelay $0x1  }
0x29b: {  	s21 =	simm.s32 $0x8100  }
0x29c: {  	[tilespmem:s21], [sflag:$0x1] =	stream.indirect_vreg.gather [hbm4b:s1+s3], $0x80, v4, vm0, $0xb8;
	[tilespmem:$0x10100] =	vst v63  }
0x29d: {  	s22 =	simm.s32 $0x8900  }
0x29e: {  	[tilespmem:s22], [sflag:$0x1] =	stream.indirect_vreg.gather [hbm4b:s1+s3], $0x80, v3, vm0, $0xb8;
	[tilespmem:$0x10100] =	vst v63  }
0x29f: {  	v3 =	vld [tilespmem:$0x90];
	_ =	sdelay $0x4  }
0x2a0: {  	v57 =	vshll.u32 v3, $0x1  }
0x2a1: {  	v3 =	vand.u32 $0x7, v3;
	v4 =	vand.u32 $0xFFFFFFF0, v57  }
0x2a2: {  	v3 =	vor.u32 v3, v4  }
0x2a3: {  	v4 =	vperm.xlane v3, v0;
	_ =	sdelay $0x1  }
0x2a4: {  	v3 =	vperm.xlane v3, v2;
	v4 =	vadd.s32 v1, v4;
	_ =	sdelay $0x1  }
0x2a5: {  	v3 =	vadd.s32 v1, v3;
	_ =	sdelay $0x1  }
0x2a6: {  	s0 =	simm.s32 $0x9100  }
0x2a7: {  	[tilespmem:s0], [sflag:$0x1] =	stream.indirect_vreg.gather [hbm4b:s1+s3], $0x80, v4, vm0, $0xb8;
	[tilespmem:$0x10100] =	vst v63  }
0x2a8: {  	s7 =	simm.s32 $0x9900  }
0x2a9: {  	[tilespmem:s7], [sflag:$0x1] =	stream.indirect_vreg.gather [hbm4b:s1+s3], $0x80, v3, vm0, $0xb8;
	[tilespmem:$0x10100] =	vst v63  }
0x2aa: {  	v3 =	vld [tilespmem:$0xA0];
	_ =	sdelay $0x4  }
0x2ab: {  	v58 =	vshll.u32 v3, $0x1  }
0x2ac: {  	v3 =	vand.u32 $0x7, v3;
	v4 =	vand.u32 $0xFFFFFFF0, v58  }
0x2ad: {  	v3 =	vor.u32 v3, v4  }
0x2ae: {  	v4 =	vperm.xlane v3, v0;
	_ =	sdelay $0x1  }
0x2af: {  	v3 =	vperm.xlane v3, v2;
	v4 =	vadd.s32 v1, v4;
	_ =	sdelay $0x1  }
0x2b0: {  	v3 =	vadd.s32 v1, v3;
	_ =	sdelay $0x1  }
0x2b1: {  	s2 =	simm.s32 $0xA100  }
0x2b2: {  	[tilespmem:s2], [sflag:$0x1] =	stream.indirect_vreg.gather [hbm4b:s1+s3], $0x80, v4, vm0, $0xb8;
	[tilespmem:$0x10100] =	vst v63  }
0x2b3: {  	s8 =	simm.s32 $0xA900  }
0x2b4: {  	[tilespmem:s8], [sflag:$0x1] =	stream.indirect_vreg.gather [hbm4b:s1+s3], $0x80, v3, vm0, $0xb8;
	[tilespmem:$0x10100] =	vst v63  }
0x2b5: {  	v3 =	vld [tilespmem:$0xB0];
	_ =	sdelay $0x4  }
0x2b6: {  	v59 =	vshll.u32 v3, $0x1  }
0x2b7: {  	v3 =	vand.u32 $0x7, v3;
	v4 =	vand.u32 $0xFFFFFFF0, v59  }
0x2b8: {  	v3 =	vor.u32 v3, v4  }
0x2b9: {  	v4 =	vperm.xlane v3, v0;
	_ =	sdelay $0x1  }
0x2ba: {  	v3 =	vperm.xlane v3, v2;
	v4 =	vadd.s32 v1, v4;
	_ =	sdelay $0x1  }
0x2bb: {  	v3 =	vadd.s32 v1, v3;
	_ =	sdelay $0x1  }
0x2bc: {  	s23 =	simm.s32 $0xB100  }
0x2bd: {  	[tilespmem:s23], [sflag:$0x1] =	stream.indirect_vreg.gather [hbm4b:s1+s3], $0x80, v4, vm0, $0xb8;
	[tilespmem:$0x10100] =	vst v63  }
0x2be: {  	s10 =	simm.s32 $0xB900  }
0x2bf: {  	[tilespmem:s10], [sflag:$0x1] =	stream.indirect_vreg.gather [hbm4b:s1+s3], $0x80, v3, vm0, $0xb8;
	[tilespmem:$0x10100] =	vst v63  }
0x2c0: {  	v3 =	vld [tilespmem:$0xC0];
	_ =	sdelay $0x4  }
0x2c1: {  	v60 =	vshll.u32 v3, $0x1  }
0x2c2: {  	v3 =	vand.u32 $0x7, v3;
	v4 =	vand.u32 $0xFFFFFFF0, v60  }
0x2c3: {  	v3 =	vor.u32 v3, v4  }
0x2c4: {  	v4 =	vperm.xlane v3, v0;
	_ =	sdelay $0x1  }
0x2c5: {  	v3 =	vperm.xlane v3, v2;
	v4 =	vadd.s32 v1, v4;
	_ =	sdelay $0x1  }
0x2c6: {  	v3 =	vadd.s32 v1, v3;
	_ =	sdelay $0x1  }
0x2c7: {  	s25 =	simm.s32 $0xC100  }
0x2c8: {  	[tilespmem:s25], [sflag:$0x1] =	stream.indirect_vreg.gather [hbm4b:s1+s3], $0x80, v4, vm0, $0xb8;
	[tilespmem:$0x10100] =	vst v63  }
0x2c9: {  	s29 =	simm.s32 $0xC900  }
0x2ca: {  	[tilespmem:s29], [sflag:$0x1] =	stream.indirect_vreg.gather [hbm4b:s1+s3], $0x80, v3, vm0, $0xb8;
	[tilespmem:$0x10100] =	vst v63  }
0x2cb: {  	v3 =	vld [tilespmem:$0xD0];
	_ =	sdelay $0x4  }
0x2cc: {  	v61 =	vshll.u32 v3, $0x1  }
0x2cd: {  	v3 =	vand.u32 $0x7, v3;
	v4 =	vand.u32 $0xFFFFFFF0, v61  }
0x2ce: {  	v3 =	vor.u32 v3, v4  }
0x2cf: {  	v4 =	vperm.xlane v3, v0;
	_ =	sdelay $0x1  }
0x2d0: {  	v3 =	vperm.xlane v3, v2;
	v4 =	vadd.s32 v1, v4;
	_ =	sdelay $0x1  }
0x2d1: {  	v3 =	vadd.s32 v1, v3;
	_ =	sdelay $0x1  }
0x2d2: {  	s30 =	simm.s32 $0xD100  }
0x2d3: {  	[tilespmem:s30], [sflag:$0x1] =	stream.indirect_vreg.gather [hbm4b:s1+s3], $0x80, v4, vm0, $0xb8;
	[tilespmem:$0x10100] =	vst v63  }
0x2d4: {  	s29 =	simm.s32 $0xD900  }
0x2d5: {  	[tilespmem:s29], [sflag:$0x1] =	stream.indirect_vreg.gather [hbm4b:s1+s3], $0x80, v3, vm0, $0xb8;
	[tilespmem:$0x10100] =	vst v63  }
0x2d6: {  	v3 =	vld [tilespmem:$0xE0];
	_ =	sdelay $0x4  }
0x2d7: {  	v62 =	vshll.u32 v3, $0x1  }
0x2d8: {  	v3 =	vand.u32 $0x7, v3;
	v4 =	vand.u32 $0xFFFFFFF0, v62  }
0x2d9: {  	v3 =	vor.u32 v3, v4  }
0x2da: {  	v4 =	vperm.xlane v3, v0;
	_ =	sdelay $0x1  }
0x2db: {  	v3 =	vperm.xlane v3, v2;
	v4 =	vadd.s32 v1, v4;
	_ =	sdelay $0x1  }
0x2dc: {  	v3 =	vadd.s32 v1, v3;
	_ =	sdelay $0x1  }
0x2dd: {  	s31 =	simm.s32 $0xE100  }
0x2de: {  	[tilespmem:s31], [sflag:$0x1] =	stream.indirect_vreg.gather [hbm4b:s1+s3], $0x80, v4, vm0, $0xb8;
	[tilespmem:$0x10100] =	vst v63  }
0x2df: {  	s30 =	simm.s32 $0xE900  }
0x2e0: {  	[tilespmem:s30], [sflag:$0x1] =	stream.indirect_vreg.gather [hbm4b:s1+s3], $0x80, v3, vm0, $0xb8;
	[tilespmem:$0x10100] =	vst v63  }
0x2e1: {  	v3 =	vld [tilespmem:$0xF0];
	_ =	sdelay $0x4  }
0x2e2: {  	v63 =	vshll.u32 v3, $0x1  }
0x2e3: {  	v3 =	vand.u32 $0x7, v3;
	v4 =	vand.u32 $0xFFFFFFF0, v63  }
0x2e4: {  	v3 =	vor.u32 v3, v4  }
0x2e5: {  	v4 =	vperm.xlane v3, v0;
	_ =	sdelay $0x1  }
0x2e6: {  	v3 =	vperm.xlane v3, v2;
	v4 =	vadd.s32 v1, v4;
	_ =	sdelay $0x1  }
0x2e7: {  	v3 =	vadd.s32 v1, v3;
	_ =	sdelay $0x1  }
0x2e8: {  	s17 =	simm.s32 $0xF100  }
0x2e9: {  	[tilespmem:s17], [sflag:$0x1] =	stream.indirect_vreg.gather [hbm4b:s1+s3], $0x80, v4, vm0, $0xb8;
	[tilespmem:$0x10100] =	vst v63  }
0x2ea: {  	s24 =	simm.s32 $0xF900  }
0x2eb: {  	[tilespmem:s24], [sflag:$0x1] =	stream.indirect_vreg.gather [hbm4b:s1+s3], $0x80, v3, vm0, $0xb8;
	[tilespmem:$0x10100] =	vst v63  }
0x2ec: {  	_ =	swait.ge [sflag:s12], $0x10000  }
0x2ed: {  	p0 =	sne.s32 s4, $0x1;
	[sflag:s12] =	ssyncset.done $0x0  }
.Ltmp0:
0x2ee: {  	s31 =	rddreg [dreg:$0xb];
	[sflag:s12] =	ssyncadd.s32 $0xFFFF0000;
	(pc) =	sbr.rel @p0 .LBB2_1-.Ltmp0, $4  }
0x2ef: {  	[hbm4b:s31+s3] =	stream.linear.scatter [tilespmem:s28], [sflag:$0x2], $0x10000, $0x38;
	[tilespmem:$0x10100] =	vst v63  }
0x2f0: {  	_ =	swait.ge [sflag:s5], $0x10000  }
0x2f1: {  	[sflag:s5] =	ssyncset.done $0x0  }
0x2f2: {  	s4 =	sadd.s32 $0xFFFFFFFF, s4;
	[sflag:s5] =	ssyncadd.s32 $0xFFFF0000  }
0x2f3: {  	_ =	sfence.sel $0x180000  }
0x2f4: {  	[bflag:$0x0] =	sbarrier.arrive $0xFFFF  }
0x2f5: {  	_ =	strace $0x90000047  }
0x2f6: {  	s0 =	stileid.u32;
	[bflag:$0x2] =	sbarrier.arrive $0xFFFF  }
0x2f7: {  	p0 =	sne.s32 s0, $0x0;
	s0 =	rddreg [dreg:$0x3]  }
0x2f8: {  	s0 =	sadd.s32 @!p0 $0x100000, s0  }
0x2f9: {  	[sflag:s0] =	ssyncadd.tile.s32 @!p0 $0x1;
	_ =	shalt  }
.Lfunc_end2:
_tile_overlayer_lowered:
.L_overlay_start_2:
0x2fa: {  	(tag) =	ssettag $0x2  }
0x2fb: {  	s0 =	rddreg [dreg:$0x0];
	s2 =	stileid.u32  }
0x2fc: {  	s1 =	rddreg [dreg:$0x1];
	p0 =	sne.s32 s2, $0x0  }
0x2fd: {  	s3 =	rddreg [dreg:$0x2];
	[bflag:$0x3] =	sbarrier.arrive $0xFFFF;
	s2 =	simm.s32 @!p0 $0x1C02  }
0x2fe: {  	[timem:s3], [sflag:s2] =	dma.local @!p0 [hbm:s0], s1  }
0x2ff: {  	s0 =	simm.s32 @!p0 $0x2  }
0x300: {  	_ =	swait.ge @!p0 [sflag:s0], s1  }
0x301: {  	s1 =	ssub.s32 @!p0 $0x0, s1;
	[sflag:s0] =	ssyncset.done @!p0 $0x0  }
0x302: {  	[sflag:s0] =	ssyncadd.s32 @!p0 s1  }
0x303: {  	[bflag:$0x3] =	sbarrier.arrive $0xFFFF  }
0x304: {  	_ =	shalt  }

</sc_bundles>
